<compile_context>
chip_gen: v7x
topology: tpu7x:2x2x1
jax: 0.10.2.dev20260603
libtpu: 0.0.44.dev20260713+nightly
codegen_flags: <defaults>
</compile_context>

<pallas_src>
import jax
import jax.numpy as jnp
from jax import lax
from jax.experimental import pallas as pl
from jax.experimental.pallas import tpu as pltpu
from jax.experimental.pallas import tpu_sc as plsc

B, C, H, W = 4, 96, 224, 224
N = H * W
NC, NS, L = 2, 16, 16
CHP = 2 * N // NS
CHP1 = 896
CH2 = 3584
RPC = CH2 // W
NCHUNK = N // CH2
CPW = C // NS


def _floor_meta(g, size):
    t = g.astype(jnp.int32)
    tf = t.astype(jnp.float32)
    c0 = jnp.where(g < tf, t - 1, t)
    w1 = g - c0.astype(jnp.float32)
    w0 = 1.0 - w1
    c1 = c0 + 1
    v0 = (c0 >= 0) & (c0 <= size - 1)
    v1 = (c1 >= 0) & (c1 <= size - 1)
    w0 = jnp.where(v0, w0, 0.0)
    w1 = jnp.where(v1, w1, 0.0)
    c0 = jnp.clip(c0, 0, size - 1)
    c1 = jnp.clip(c1, 0, size - 1)
    return c0, c1, w0, w1


def _sc_body(xf, gxf, gyf, out, plane_v, mb, obuf, p1gx, p1gy,
             p1m, meta_sh, sem_m0, sem_m1, sem_o0, sem_o1):
    c = lax.axis_index("c")
    s = lax.axis_index("s")

    b_loc = s // 8
    b = 2 * c + b_loc
    base = b * N + (s % 8) * CHP
    col0 = b_loc * N + (s % 8) * CHP

    @pl.loop(0, CHP // CHP1)
    def _(j):
        pltpu.sync_copy(gxf.at[pl.ds(base + j * CHP1, CHP1)], p1gx)
        pltpu.sync_copy(gyf.at[pl.ds(base + j * CHP1, CHP1)], p1gy)

        @pl.loop(0, CHP1 // L)
        def _(k):
            sl = pl.ds(k * L, L)
            gx = p1gx[sl]
            gy = p1gy[sl]
            x0, x1, wx0, wx1 = _floor_meta(gx, W)
            y0, y1, wy0, wy1 = _floor_meta(gy, H)
            p1m[0, sl] = y0 * 256 + x0
            p1m[1, sl] = y1 * 256 + x1
            p1m[2, sl] = plsc.bitcast(
                plsc.pack(wx0 * wy0, wx1 * wy0,
                          format=plsc.PackFormat.INTERLEAVED), jnp.int32)
            p1m[3, sl] = plsc.bitcast(
                plsc.pack(wx0 * wy1, wx1 * wy1,
                          format=plsc.PackFormat.INTERLEAVED), jnp.int32)

        pltpu.sync_copy(p1m, meta_sh.at[:, pl.ds(col0 + j * CHP1, CHP1)])

    plsc.subcore_barrier()

    sem_m = (sem_m0, sem_m1)
    sem_o = (sem_o0, sem_o1)

    @pl.loop(0, 2 * CPW)
    def _(t):
        bb_loc = t // CPW
        ch = s * CPW + (t % CPW)
        bb = 2 * c + bb_loc
        row0 = (bb * C + ch) * H
        mcol = bb_loc * N

        def m_start(q, i):
            pltpu.async_copy(meta_sh.at[:, pl.ds(mcol + q * CH2, CH2)],
                             mb.at[i], sem_m[i])

        def m_wait(i):
            pltpu.make_async_copy(meta_sh.at[:, pl.ds(0, CH2)],
                                  mb.at[i], sem_m[i]).wait()

        def o_start(q, i):
            pltpu.async_copy(obuf.at[i],
                             out.at[pl.ds(row0 + q * RPC, RPC), :],
                             sem_o[i])

        def o_drain(i):
            pltpu.make_async_copy(obuf.at[i],
                                  out.at[pl.ds(row0, RPC), :],
                                  sem_o[i]).wait()

        def compute(i):
            @pl.loop(0, RPC)
            def _(r):
                @plsc.parallel_loop(0, W // L, unroll=2)
                def _(v):
                    sl = pl.ds(r * W + v * L, L)
                    i00 = mb[i, 0, sl]
                    i11 = mb[i, 1, sl]
                    y0 = i00 >> 8
                    x0 = i00 & 255
                    y1 = i11 >> 8
                    x1 = i11 & 255
                    g00 = plsc.load_gather(plane_v, [y0, x0])
                    g01 = plsc.load_gather(plane_v, [y0, x1])
                    g10 = plsc.load_gather(plane_v, [y1, x0])
                    g11 = plsc.load_gather(plane_v, [y1, x1])
                    w00, w01 = plsc.unpack(
                        plsc.bitcast(mb[i, 2, sl], jnp.bfloat16),
                        format=plsc.PackFormat.INTERLEAVED)
                    w10, w11 = plsc.unpack(
                        plsc.bitcast(mb[i, 3, sl], jnp.bfloat16),
                        format=plsc.PackFormat.INTERLEAVED)
                    obuf[i, r, pl.ds(v * L, L)] = (
                        g00 * w00 + g01 * w01 + g10 * w10 + g11 * w11)

        m_start(0, 0)
        pltpu.sync_copy(xf.at[pl.ds(row0, H), :], plane_v)

        @pl.loop(0, NCHUNK // 2)
        def _(g):
            q0 = 2 * g
            m_start(q0 + 1, 1)
            m_wait(0)

            @pl.when(g > 0)
            def _():
                o_drain(0)

            compute(0)
            o_start(q0, 0)

            @pl.when(g < NCHUNK // 2 - 1)
            def _():
                m_start(q0 + 2, 0)

            m_wait(1)

            @pl.when(g > 0)
            def _():
                o_drain(1)

            compute(1)
            o_start(q0 + 1, 1)

        o_drain(0)
        o_drain(1)


def _sc_call(xf, gxf, gyf):
    mesh = plsc.VectorSubcoreMesh(core_axis_name="c", subcore_axis_name="s",
                                  num_cores=NC, num_subcores=NS)
    f = pl.kernel(
        _sc_body,
        out_type=jax.ShapeDtypeStruct((B * C * H, W), jnp.float32),
        mesh=mesh,
        compiler_params=pltpu.CompilerParams(needs_layout_passes=False),
        scratch_types=[
            pltpu.VMEM((H, W), jnp.float32),
            pltpu.VMEM((2, 4, CH2), jnp.int32),
            pltpu.VMEM((2, RPC, W), jnp.float32),
            pltpu.VMEM((CHP1,), jnp.float32),
            pltpu.VMEM((CHP1,), jnp.float32),
            pltpu.VMEM((4, CHP1), jnp.int32),
            pltpu.VMEM_SHARED((4, 2 * N), jnp.int32),
            pltpu.SemaphoreType.DMA,
            pltpu.SemaphoreType.DMA,
            pltpu.SemaphoreType.DMA,
            pltpu.SemaphoreType.DMA,
        ],
    )
    return f(xf, gxf, gyf)


def kernel(offsets, x):
    offs = offsets.reshape(-1, H, W, 2)
    gy_l, gx_l = jnp.meshgrid(jnp.linspace(-1.0, 1.0, H, dtype=x.dtype),
                              jnp.linspace(-1.0, 1.0, W, dtype=x.dtype),
                              indexing="ij")
    grid = jnp.stack([gx_l, gy_l], axis=-1)
    grid = jnp.broadcast_to(grid[None], (B, H, W, 2))
    offn = offs / jnp.array([W, H], dtype=x.dtype).reshape(1, 1, 1, 2) * 2.0
    ng = grid + offn
    gx = (ng[..., 0] + 1.0) * 0.5 * (W - 1)
    gy = (ng[..., 1] + 1.0) * 0.5 * (H - 1)

    out = _sc_call(x.reshape(B * C * H, W),
                   gx.reshape(B * N), gy.reshape(B * N))
    return out.reshape(B, C, H, W)

# --- scband reference (transcript-rebuilt; emitter-appended) ---
"""Pipeline reference for scband-offset-layer-14568529068430 (READ-ONLY COPY).

The authoritative reference and input builder live on the scoring server;
editing this copy changes nothing except your own understanding.
"""

import jax, jax.numpy as jnp
import numpy as np


def _grid_sample_bilinear_zeros(x, grid):
    # x: [B, C, H, W]; grid: [B, Hg, Wg, 2] with (x, y) in [-1, 1], align_corners=True
    B, C, H, W = x.shape
    gx = (grid[..., 0] + 1.0) * 0.5 * (W - 1)
    gy = (grid[..., 1] + 1.0) * 0.5 * (H - 1)
    x0 = jnp.floor(gx)
    x1 = x0 + 1.0
    y0 = jnp.floor(gy)
    y1 = y0 + 1.0
    wx1 = gx - x0
    wx0 = 1.0 - wx1
    wy1 = gy - y0
    wy0 = 1.0 - wy1

    def gather(ix, iy):
        valid = (ix >= 0) & (ix <= W - 1) & (iy >= 0) & (iy <= H - 1)
        ixc = jnp.clip(ix, 0, W - 1).astype(jnp.int32)
        iyc = jnp.clip(iy, 0, H - 1).astype(jnp.int32)
        vals = jax.vmap(lambda xb, iyb, ixb: xb[:, iyb, ixb])(x, iyc, ixc)  # [B, C, Hg, Wg]
        return vals * valid.astype(x.dtype)[:, None, :, :]

    out = (gather(x0, y0) * (wx0 * wy0)[:, None, :, :]
           + gather(x1, y0) * (wx1 * wy0)[:, None, :, :]
           + gather(x0, y1) * (wx0 * wy1)[:, None, :, :]
           + gather(x1, y1) * (wx1 * wy1)[:, None, :, :])
    return out


def setup_inputs(seed: int = 0) -> dict:
    key = jax.random.key(seed)
    k1, k2 = jax.random.split(key)
    offsets = jax.random.normal(k1, (4, 50176, 2), dtype=jnp.float32)
    x = jax.random.normal(k2, (4, 96, 224, 224), dtype=jnp.float32)
    return {"offsets": offsets, "x": x}


def reference(offsets, x):
    B, C, H, W = x.shape
    N = offsets.shape[1]
    s = int(np.sqrt(N))
    offs = offsets.reshape(-1, s, s, 2)
    gy, gx = jnp.meshgrid(jnp.linspace(-1.0, 1.0, H, dtype=x.dtype),
                          jnp.linspace(-1.0, 1.0, W, dtype=x.dtype), indexing='ij')
    grid = jnp.stack([gx, gy], axis=-1)
    grid = jnp.broadcast_to(grid[None], (B, H, W, 2))
    offsets_normalized = offs / jnp.array([W, H], dtype=x.dtype).reshape(1, 1, 1, 2) * 2.0
    new_grid = grid + offsets_normalized
    return _grid_sample_bilinear_zeros(x, new_grid)

if __name__ == "__main__":
    import jax
    _d = setup_inputs()
    print(jax.jit(kernel)(*tuple(_d.values())))

</pallas_src>

<mosaic_0001>
#map = affine_map<(d0, d1) -> (0, 0)>
#map1 = affine_map<(d0, d1) -> (0)>
module attributes {stable_mosaic.version = 14 : i64} {
  func.func @_sc_body(%arg0: i32, %arg1: i32, %arg2: memref<86016x224xf32, #tpu.memory_space<hbm>>, %arg3: memref<200704xf32, #tpu.memory_space<hbm>>, %arg4: memref<200704xf32, #tpu.memory_space<hbm>>, %arg5: memref<86016x224xf32, #tpu.memory_space<hbm>>, %arg6: memref<224x224xf32, #tpu.memory_space<vmem>>, %arg7: memref<2x4x3584xi32, #tpu.memory_space<vmem>>, %arg8: memref<2x16x224xf32, #tpu.memory_space<vmem>>, %arg9: memref<896xf32, #tpu.memory_space<vmem>>, %arg10: memref<896xf32, #tpu.memory_space<vmem>>, %arg11: memref<4x896xi32, #tpu.memory_space<vmem>>, %arg12: memref<4x100352xi32, #tpu.memory_space<vmem_shared>>, %arg13: memref<!tpu.dma_semaphore, #tpu.memory_space<semaphore_mem>>, %arg14: memref<!tpu.dma_semaphore, #tpu.memory_space<semaphore_mem>>, %arg15: memref<!tpu.dma_semaphore, #tpu.memory_space<semaphore_mem>>, %arg16: memref<!tpu.dma_semaphore, #tpu.memory_space<semaphore_mem>>) attributes {dimension_semantics = [#tpu.dimension_semantics<core_parallel>, #tpu.dimension_semantics<subcore_parallel>], iteration_bounds = array<i64: 2, 16>, scalar_prefetch = 0 : i64, scratch_operands = 11 : i64, tpu.core_type = #tpu.core_type<sc_vector_subcore>, window_params = [{transform_indices = #map}, {transform_indices = #map1}, {transform_indices = #map1}, {transform_indices = #map}]} {
    %jit3A = arith.constant 8 : i32
    %div3A = arith.divsi %arg1, %jit3A : i32
    %sign3A = arith.constant 0 : i32
    %sign3A_0 = arith.cmpi sgt, %arg1, %sign3A : i32
    %sign3A_1 = arith.extui %sign3A_0 : i1 to i32
    %sign3A_2 = arith.constant 0 : i32
    %sign3A_3 = arith.cmpi slt, %arg1, %sign3A_2 : i32
    %sign3A_4 = arith.extui %sign3A_3 : i1 to i32
    %sign3A_5 = arith.subi %sign3A_1, %sign3A_4 : i32
    %sign3A_6 = arith.constant 0 : i32
    %sign3A_7 = arith.cmpi sgt, %jit3A, %sign3A_6 : i32
    %sign3A_8 = arith.extui %sign3A_7 : i1 to i32
    %sign3A_9 = arith.constant 0 : i32
    %sign3A_10 = arith.cmpi slt, %jit3A, %sign3A_9 : i32
    %sign3A_11 = arith.extui %sign3A_10 : i1 to i32
    %sign3A_12 = arith.subi %sign3A_8, %sign3A_11 : i32
    %ne3A = arith.cmpi ne, %sign3A_5, %sign3A_12 : i32
    %rem3A = arith.remsi %arg1, %jit3A : i32
    %ne3A_13 = arith.constant 0 : i32
    %ne3A_14 = arith.cmpi ne, %rem3A, %ne3A_13 : i32
    %and3A = arith.andi %ne3A, %ne3A_14 : i1
    %sub3A = arith.constant 1 : i32
    %sub3A_15 = arith.subi %div3A, %sub3A : i32
    %select_n3A = arith.select %and3A, %sub3A_15, %div3A : i32
    %mul3A = arith.constant 2 : i32
    %mul3A_16 = arith.muli %mul3A, %arg0 : i32
    %add3A = arith.addi %mul3A_16, %select_n3A : i32
    %mul3A_17 = arith.constant 50176 : i32
    %mul3A_18 = arith.muli %add3A, %mul3A_17 : i32
    %jit3A_19 = arith.constant 8 : i32
    %eq3A = arith.constant 0 : i32
    %eq3A_20 = arith.cmpi eq, %jit3A_19, %eq3A : i32
    %jit3A_21 = arith.constant 1 : i32
    %select_n3A_22 = arith.select %eq3A_20, %jit3A_21, %jit3A_19 : i32
    %rem3A_23 = arith.remsi %arg1, %select_n3A_22 : i32
    %ne3A_24 = arith.constant 0 : i32
    %ne3A_25 = arith.cmpi ne, %rem3A_23, %ne3A_24 : i32
    %lt3A = arith.constant 0 : i32
    %lt3A_26 = arith.cmpi slt, %rem3A_23, %lt3A : i32
    %lt3A_27 = arith.constant 0 : i32
    %lt3A_28 = arith.cmpi slt, %select_n3A_22, %lt3A_27 : i32
    %ne3A_29 = arith.xori %lt3A_26, %lt3A_28 : i1
    %and3A_30 = arith.andi %ne3A_29, %ne3A_25 : i1
    %add3A_31 = arith.addi %rem3A_23, %select_n3A_22 : i32
    %select_n3A_32 = arith.select %and3A_30, %add3A_31, %rem3A_23 : i32
    %mul3A_33 = arith.constant 6272 : i32
    %mul3A_34 = arith.muli %select_n3A_32, %mul3A_33 : i32
    %add3A_35 = arith.addi %mul3A_18, %mul3A_34 : i32
    %mul3A_36 = arith.constant 50176 : i32
    %mul3A_37 = arith.muli %select_n3A, %mul3A_36 : i32
    %jit3A_38 = arith.constant 8 : i32
    %eq3A_39 = arith.constant 0 : i32
    %eq3A_40 = arith.cmpi eq, %jit3A_38, %eq3A_39 : i32
    %jit3A_41 = arith.constant 1 : i32
    %select_n3A_42 = arith.select %eq3A_40, %jit3A_41, %jit3A_38 : i32
    %rem3A_43 = arith.remsi %arg1, %select_n3A_42 : i32
    %ne3A_44 = arith.constant 0 : i32
    %ne3A_45 = arith.cmpi ne, %rem3A_43, %ne3A_44 : i32
    %lt3A_46 = arith.constant 0 : i32
    %lt3A_47 = arith.cmpi slt, %rem3A_43, %lt3A_46 : i32
    %lt3A_48 = arith.constant 0 : i32
    %lt3A_49 = arith.cmpi slt, %select_n3A_42, %lt3A_48 : i32
    %ne3A_50 = arith.xori %lt3A_47, %lt3A_49 : i1
    %and3A_51 = arith.andi %ne3A_50, %ne3A_45 : i1
    %add3A_52 = arith.addi %rem3A_43, %select_n3A_42 : i32
    %select_n3A_53 = arith.select %and3A_51, %add3A_52, %rem3A_43 : i32
    %mul3A_54 = arith.constant 6272 : i32
    %mul3A_55 = arith.muli %select_n3A_53, %mul3A_54 : i32
    %add3A_56 = arith.addi %mul3A_37, %mul3A_55 : i32
    %scan3A = arith.constant 0 : i32
    %scan3A_57 = arith.constant 7 : i32
    %scan3A_58 = arith.addi %scan3A, %scan3A_57 : i32
    %scan3A_59 = arith.constant 1 : i32
    scf.for %scan3A_66 = %scan3A to %scan3A_58 step %scan3A_59  : i32 {
      %mul3A_67 = arith.constant 1 : i32
      %mul3A_68 = arith.muli %scan3A_66, %mul3A_67 : i32
      %add3A_69 = arith.constant 0 : i32
      %add3A_70 = arith.addi %add3A_69, %mul3A_68 : i32
      %mul3A_71 = arith.constant 896 : i32
      %mul3A_72 = arith.muli %add3A_70, %mul3A_71 : i32
      %add3A_73 = arith.addi %add3A_35, %mul3A_72 : i32
      "tpu.region"() ({
        %run_scoped3A = tpu.sem_alloc : memref<!tpu.dma_semaphore, #tpu.memory_space<semaphore_mem>>
        %dma_start3A = tpu.memref_slice %arg3[%add3A_73] : memref<200704xf32, #tpu.memory_space<hbm>> -> memref<896xf32, #tpu.memory_space<hbm>>
        %dma_start3A_85 = tpu.memref_slice %arg3[%add3A_73] : memref<200704xf32, #tpu.memory_space<hbm>> -> memref<896xf32, #tpu.memory_space<hbm>>
        tpu.enqueue_dma source(%dma_start3A_85 : memref<896xf32, #tpu.memory_space<hbm>>) target(%arg9 : memref<896xf32, #tpu.memory_space<vmem>>) target_semaphore(%run_scoped3A : memref<!tpu.dma_semaphore, #tpu.memory_space<semaphore_mem>>)
        %dma_wait3A = tpu.memref_slice %arg3[%add3A_73] : memref<200704xf32, #tpu.memory_space<hbm>> -> memref<896xf32, #tpu.memory_space<hbm>>
        %dma_wait3A_86 = tpu.memref_slice %arg3[%add3A_73] : memref<200704xf32, #tpu.memory_space<hbm>> -> memref<896xf32, #tpu.memory_space<hbm>>
        tpu.wait_dma2 semaphore(%run_scoped3A : memref<!tpu.dma_semaphore, #tpu.memory_space<semaphore_mem>>) src(%dma_wait3A_86 : memref<896xf32, #tpu.memory_space<hbm>>) dst(%arg9 : memref<896xf32, #tpu.memory_space<vmem>>)
        tpu.yield
      }) : () -> ()
      %mul3A_74 = arith.constant 896 : i32
      %mul3A_75 = arith.muli %add3A_70, %mul3A_74 : i32
      %add3A_76 = arith.addi %add3A_35, %mul3A_75 : i32
      "tpu.region"() ({
        %run_scoped3A = tpu.sem_alloc : memref<!tpu.dma_semaphore, #tpu.memory_space<semaphore_mem>>
        %dma_start3A = tpu.memref_slice %arg4[%add3A_76] : memref<200704xf32, #tpu.memory_space<hbm>> -> memref<896xf32, #tpu.memory_space<hbm>>
        %dma_start3A_85 = tpu.memref_slice %arg4[%add3A_76] : memref<200704xf32, #tpu.memory_space<hbm>> -> memref<896xf32, #tpu.memory_space<hbm>>
        tpu.enqueue_dma source(%dma_start3A_85 : memref<896xf32, #tpu.memory_space<hbm>>) target(%arg10 : memref<896xf32, #tpu.memory_space<vmem>>) target_semaphore(%run_scoped3A : memref<!tpu.dma_semaphore, #tpu.memory_space<semaphore_mem>>)
        %dma_wait3A = tpu.memref_slice %arg4[%add3A_76] : memref<200704xf32, #tpu.memory_space<hbm>> -> memref<896xf32, #tpu.memory_space<hbm>>
        %dma_wait3A_86 = tpu.memref_slice %arg4[%add3A_76] : memref<200704xf32, #tpu.memory_space<hbm>> -> memref<896xf32, #tpu.memory_space<hbm>>
        tpu.wait_dma2 semaphore(%run_scoped3A : memref<!tpu.dma_semaphore, #tpu.memory_space<semaphore_mem>>) src(%dma_wait3A_86 : memref<896xf32, #tpu.memory_space<hbm>>) dst(%arg10 : memref<896xf32, #tpu.memory_space<vmem>>)
        tpu.yield
      }) : () -> ()
      %scan3A_77 = arith.constant 0 : i32
      %scan3A_78 = arith.constant 56 : i32
      %scan3A_79 = arith.addi %scan3A_77, %scan3A_78 : i32
      %scan3A_80 = arith.constant 1 : i32
      scf.for %scan3A_85 = %scan3A_77 to %scan3A_79 step %scan3A_80  : i32 {
        %mul3A_86 = arith.constant 1 : i32
        %mul3A_87 = arith.muli %scan3A_85, %mul3A_86 : i32
        %add3A_88 = arith.constant 0 : i32
        %add3A_89 = arith.addi %add3A_88, %mul3A_87 : i32
        %mul3A_90 = arith.constant 16 : i32
        %mul3A_91 = arith.muli %add3A_89, %mul3A_90 : i32
        %get3A = arith.index_cast %mul3A_91 : i32 to index
        %get3A_92 = tpu.vector_load %arg9[%get3A] {strides = array<i32>} : memref<896xf32, #tpu.memory_space<vmem>>, vector<16xf32>,
        %get3A_93 = arith.index_cast %mul3A_91 : i32 to index
        %get3A_94 = tpu.vector_load %arg10[%get3A_93] {strides = array<i32>} : memref<896xf32, #tpu.memory_space<vmem>>, vector<16xf32>,
        %convert_element_type3A = arith.fptosi %get3A_92 : vector<16xf32> to vector<16xi32>
        %convert_element_type3A_95 = arith.sitofp %convert_element_type3A : vector<16xi32> to vector<16xf32>
        %lt3A_96 = arith.cmpf olt, %get3A_92, %convert_element_type3A_95 : vector<16xf32>
        %sub3A_97 = arith.constant 1 : i32
        %sub3A_98 = vector.broadcast %sub3A_97 : i32 to vector<16xi32>
        %sub3A_99 = arith.subi %convert_element_type3A, %sub3A_98 : vector<16xi32>
        %select_n3A_100 = arith.select %lt3A_96, %sub3A_99, %convert_element_type3A : vector<16xi1>, vector<16xi32>
        %convert_element_type3A_101 = arith.sitofp %select_n3A_100 : vector<16xi32> to vector<16xf32>
        %sub3A_102 = arith.subf %get3A_92, %convert_element_type3A_101 : vector<16xf32>
        %sub3A_103 = arith.constant 1.000000e+00 : f32
        %sub3A_104 = vector.broadcast %sub3A_103 : f32 to vector<16xf32>
        %sub3A_105 = arith.subf %sub3A_104, %sub3A_102 : vector<16xf32>
        %add3A_106 = arith.constant 1 : i32
        %add3A_107 = vector.broadcast %add3A_106 : i32 to vector<16xi32>
        %add3A_108 = arith.addi %select_n3A_100, %add3A_107 : vector<16xi32>
        %ge3A = arith.constant 0 : i32
        %ge3A_109 = vector.broadcast %ge3A : i32 to vector<16xi32>
        %ge3A_110 = arith.cmpi sge, %select_n3A_100, %ge3A_109 : vector<16xi32>
        %le3A = arith.constant 223 : i32
        %le3A_111 = vector.broadcast %le3A : i32 to vector<16xi32>
        %le3A_112 = arith.cmpi sle, %select_n3A_100, %le3A_111 : vector<16xi32>
        %and3A_113 = arith.andi %ge3A_110, %le3A_112 : vector<16xi1>
        %ge3A_114 = arith.constant 0 : i32
        %ge3A_115 = vector.broadcast %ge3A_114 : i32 to vector<16xi32>
        %ge3A_116 = arith.cmpi sge, %add3A_108, %ge3A_115 : vector<16xi32>
        %le3A_117 = arith.constant 223 : i32
        %le3A_118 = vector.broadcast %le3A_117 : i32 to vector<16xi32>
        %le3A_119 = arith.cmpi sle, %add3A_108, %le3A_118 : vector<16xi32>
        %and3A_120 = arith.andi %ge3A_116, %le3A_119 : vector<16xi1>
        %jit3A_121 = arith.constant 0.000000e+00 : f32
        %broadcast_in_dim3A = vector.broadcast %jit3A_121 : f32 to vector<16xf32>
        %select_n3A_122 = arith.select %and3A_113, %sub3A_105, %broadcast_in_dim3A : vector<16xi1>, vector<16xf32>
        %jit3A_123 = arith.constant 0.000000e+00 : f32
        %broadcast_in_dim3A_124 = vector.broadcast %jit3A_123 : f32 to vector<16xf32>
        %select_n3A_125 = arith.select %and3A_120, %sub3A_102, %broadcast_in_dim3A_124 : vector<16xi1>, vector<16xf32>
        %jit3A_126 = arith.constant 0 : i32
        %jit3A_127 = arith.constant 223 : i32
        %max3A = vector.broadcast %jit3A_126 : i32 to vector<16xi32>
        %max3A_128 = arith.maxsi %max3A, %select_n3A_100 : vector<16xi32>
        %min3A = vector.broadcast %jit3A_127 : i32 to vector<16xi32>
        %min3A_129 = arith.minsi %min3A, %max3A_128 : vector<16xi32>
        %jit3A_130 = arith.constant 0 : i32
        %jit3A_131 = arith.constant 223 : i32
        %max3A_132 = vector.broadcast %jit3A_130 : i32 to vector<16xi32>
        %max3A_133 = arith.maxsi %max3A_132, %add3A_108 : vector<16xi32>
        %min3A_134 = vector.broadcast %jit3A_131 : i32 to vector<16xi32>
        %min3A_135 = arith.minsi %min3A_134, %max3A_133 : vector<16xi32>
        %convert_element_type3A_136 = arith.fptosi %get3A_94 : vector<16xf32> to vector<16xi32>
        %convert_element_type3A_137 = arith.sitofp %convert_element_type3A_136 : vector<16xi32> to vector<16xf32>
        %lt3A_138 = arith.cmpf olt, %get3A_94, %convert_element_type3A_137 : vector<16xf32>
        %sub3A_139 = arith.constant 1 : i32
        %sub3A_140 = vector.broadcast %sub3A_139 : i32 to vector<16xi32>
        %sub3A_141 = arith.subi %convert_element_type3A_136, %sub3A_140 : vector<16xi32>
        %select_n3A_142 = arith.select %lt3A_138, %sub3A_141, %convert_element_type3A_136 : vector<16xi1>, vector<16xi32>
        %convert_element_type3A_143 = arith.sitofp %select_n3A_142 : vector<16xi32> to vector<16xf32>
        %sub3A_144 = arith.subf %get3A_94, %convert_element_type3A_143 : vector<16xf32>
        %sub3A_145 = arith.constant 1.000000e+00 : f32
        %sub3A_146 = vector.broadcast %sub3A_145 : f32 to vector<16xf32>
        %sub3A_147 = arith.subf %sub3A_146, %sub3A_144 : vector<16xf32>
        %add3A_148 = arith.constant 1 : i32
        %add3A_149 = vector.broadcast %add3A_148 : i32 to vector<16xi32>
        %add3A_150 = arith.addi %select_n3A_142, %add3A_149 : vector<16xi32>
        %ge3A_151 = arith.constant 0 : i32
        %ge3A_152 = vector.broadcast %ge3A_151 : i32 to vector<16xi32>
        %ge3A_153 = arith.cmpi sge, %select_n3A_142, %ge3A_152 : vector<16xi32>
        %le3A_154 = arith.constant 223 : i32
        %le3A_155 = vector.broadcast %le3A_154 : i32 to vector<16xi32>
        %le3A_156 = arith.cmpi sle, %select_n3A_142, %le3A_155 : vector<16xi32>
        %and3A_157 = arith.andi %ge3A_153, %le3A_156 : vector<16xi1>
        %ge3A_158 = arith.constant 0 : i32
        %ge3A_159 = vector.broadcast %ge3A_158 : i32 to vector<16xi32>
        %ge3A_160 = arith.cmpi sge, %add3A_150, %ge3A_159 : vector<16xi32>
        %le3A_161 = arith.constant 223 : i32
        %le3A_162 = vector.broadcast %le3A_161 : i32 to vector<16xi32>
        %le3A_163 = arith.cmpi sle, %add3A_150, %le3A_162 : vector<16xi32>
        %and3A_164 = arith.andi %ge3A_160, %le3A_163 : vector<16xi1>
        %jit3A_165 = arith.constant 0.000000e+00 : f32
        %broadcast_in_dim3A_166 = vector.broadcast %jit3A_165 : f32 to vector<16xf32>
        %select_n3A_167 = arith.select %and3A_157, %sub3A_147, %broadcast_in_dim3A_166 : vector<16xi1>, vector<16xf32>
        %jit3A_168 = arith.constant 0.000000e+00 : f32
        %broadcast_in_dim3A_169 = vector.broadcast %jit3A_168 : f32 to vector<16xf32>
        %select_n3A_170 = arith.select %and3A_164, %sub3A_144, %broadcast_in_dim3A_169 : vector<16xi1>, vector<16xf32>
        %jit3A_171 = arith.constant 0 : i32
        %jit3A_172 = arith.constant 223 : i32
        %max3A_173 = vector.broadcast %jit3A_171 : i32 to vector<16xi32>
        %max3A_174 = arith.maxsi %max3A_173, %select_n3A_142 : vector<16xi32>
        %min3A_175 = vector.broadcast %jit3A_172 : i32 to vector<16xi32>
        %min3A_176 = arith.minsi %min3A_175, %max3A_174 : vector<16xi32>
        %jit3A_177 = arith.constant 0 : i32
        %jit3A_178 = arith.constant 223 : i32
        %max3A_179 = vector.broadcast %jit3A_177 : i32 to vector<16xi32>
        %max3A_180 = arith.maxsi %max3A_179, %add3A_150 : vector<16xi32>
        %min3A_181 = vector.broadcast %jit3A_178 : i32 to vector<16xi32>
        %min3A_182 = arith.minsi %min3A_181, %max3A_180 : vector<16xi32>
        %mul3A_183 = arith.constant 256 : i32
        %mul3A_184 = vector.broadcast %mul3A_183 : i32 to vector<16xi32>
        %mul3A_185 = arith.muli %min3A_176, %mul3A_184 : vector<16xi32>
        %add3A_186 = arith.addi %mul3A_185, %min3A_129 : vector<16xi32>
        %swap3A = arith.constant 0 : i32
        %swap3A_187 = arith.index_cast %swap3A : i32 to index
        %swap3A_188 = arith.index_cast %mul3A_91 : i32 to index
        %swap3A_189 = tpu.vector_load %arg11[%swap3A_187, %swap3A_188] {strides = array<i32>} : memref<4x896xi32, #tpu.memory_space<vmem>>, vector<16xi32>,
        tpu.vector_store %arg11[%swap3A_187, %swap3A_188], %add3A_186 {strides = array<i32>} : memref<4x896xi32, #tpu.memory_space<vmem>>, vector<16xi32>,
        %mul3A_190 = arith.constant 256 : i32
        %mul3A_191 = vector.broadcast %mul3A_190 : i32 to vector<16xi32>
        %mul3A_192 = arith.muli %min3A_182, %mul3A_191 : vector<16xi32>
        %add3A_193 = arith.addi %mul3A_192, %min3A_135 : vector<16xi32>
        %swap3A_194 = arith.constant 1 : i32
        %swap3A_195 = arith.index_cast %swap3A_194 : i32 to index
        %swap3A_196 = arith.index_cast %mul3A_91 : i32 to index
        %swap3A_197 = tpu.vector_load %arg11[%swap3A_195, %swap3A_196] {strides = array<i32>} : memref<4x896xi32, #tpu.memory_space<vmem>>, vector<16xi32>,
        tpu.vector_store %arg11[%swap3A_195, %swap3A_196], %add3A_193 {strides = array<i32>} : memref<4x896xi32, #tpu.memory_space<vmem>>, vector<16xi32>,
        %mul3A_198 = arith.mulf %select_n3A_122, %select_n3A_167 : vector<16xf32>
        %mul3A_199 = arith.mulf %select_n3A_125, %select_n3A_167 : vector<16xf32>
        %pack3A = tpu.pack_subelements %mul3A_198, %mul3A_199 {pack_format = #tpu.pack_format<interleaved>, positions = array<i32: 0, 1>} : vector<16xf32>, vector<16xf32> -> vector<32xbf16>
        %bitcast3A = vector.bitcast %pack3A : vector<32xbf16> to vector<16xi32>
        %swap3A_200 = arith.constant 2 : i32
        %swap3A_201 = arith.index_cast %swap3A_200 : i32 to index
        %swap3A_202 = arith.index_cast %mul3A_91 : i32 to index
        %swap3A_203 = tpu.vector_load %arg11[%swap3A_201, %swap3A_202] {strides = array<i32>} : memref<4x896xi32, #tpu.memory_space<vmem>>, vector<16xi32>,
        tpu.vector_store %arg11[%swap3A_201, %swap3A_202], %bitcast3A {strides = array<i32>} : memref<4x896xi32, #tpu.memory_space<vmem>>, vector<16xi32>,
        %mul3A_204 = arith.mulf %select_n3A_122, %select_n3A_170 : vector<16xf32>
        %mul3A_205 = arith.mulf %select_n3A_125, %select_n3A_170 : vector<16xf32>
        %pack3A_206 = tpu.pack_subelements %mul3A_204, %mul3A_205 {pack_format = #tpu.pack_format<interleaved>, positions = array<i32: 0, 1>} : vector<16xf32>, vector<16xf32> -> vector<32xbf16>
        %bitcast3A_207 = vector.bitcast %pack3A_206 : vector<32xbf16> to vector<16xi32>
        %swap3A_208 = arith.constant 3 : i32
        %swap3A_209 = arith.index_cast %swap3A_208 : i32 to index
        %swap3A_210 = arith.index_cast %mul3A_91 : i32 to index
        %swap3A_211 = tpu.vector_load %arg11[%swap3A_209, %swap3A_210] {strides = array<i32>} : memref<4x896xi32, #tpu.memory_space<vmem>>, vector<16xi32>,
        tpu.vector_store %arg11[%swap3A_209, %swap3A_210], %bitcast3A_207 {strides = array<i32>} : memref<4x896xi32, #tpu.memory_space<vmem>>, vector<16xi32>,
      }
      %scan3A_81 = arith.constant 56 : i32
      %mul3A_82 = arith.constant 896 : i32
      %mul3A_83 = arith.muli %add3A_70, %mul3A_82 : i32
      %add3A_84 = arith.addi %add3A_56, %mul3A_83 : i32
      "tpu.region"() ({
        %run_scoped3A = tpu.sem_alloc : memref<!tpu.dma_semaphore, #tpu.memory_space<semaphore_mem>>
        %dma_start3A = arith.constant 0 : i32
        %dma_start3A_85 = tpu.memref_slice %arg12[%dma_start3A, %add3A_84] : memref<4x100352xi32, #tpu.memory_space<vmem_shared>> -> memref<4x896xi32, #tpu.memory_space<vmem_shared>>
        %dma_start3A_86 = arith.constant 0 : i32
        %dma_start3A_87 = tpu.memref_slice %arg12[%dma_start3A_86, %add3A_84] : memref<4x100352xi32, #tpu.memory_space<vmem_shared>> -> memref<4x896xi32, #tpu.memory_space<vmem_shared>>
        tpu.enqueue_dma source(%arg11 : memref<4x896xi32, #tpu.memory_space<vmem>>) target(%dma_start3A_87 : memref<4x896xi32, #tpu.memory_space<vmem_shared>>) target_semaphore(%run_scoped3A : memref<!tpu.dma_semaphore, #tpu.memory_space<semaphore_mem>>)
        %dma_wait3A = arith.constant 0 : i32
        %dma_wait3A_88 = tpu.memref_slice %arg12[%dma_wait3A, %add3A_84] : memref<4x100352xi32, #tpu.memory_space<vmem_shared>> -> memref<4x896xi32, #tpu.memory_space<vmem_shared>>
        %dma_wait3A_89 = arith.constant 0 : i32
        %dma_wait3A_90 = tpu.memref_slice %arg12[%dma_wait3A_89, %add3A_84] : memref<4x100352xi32, #tpu.memory_space<vmem_shared>> -> memref<4x896xi32, #tpu.memory_space<vmem_shared>>
        tpu.wait_dma2 semaphore(%run_scoped3A : memref<!tpu.dma_semaphore, #tpu.memory_space<semaphore_mem>>) src(%arg11 : memref<4x896xi32, #tpu.memory_space<vmem>>) dst(%dma_wait3A_90 : memref<4x896xi32, #tpu.memory_space<vmem_shared>>)
        tpu.yield
      }) : () -> ()
    }
    %scan3A_60 = arith.constant 7 : i32
    %barrier3A = arith.constant 0 : index
    tpu.barrier barrier_id(%barrier3A)
    %scan3A_61 = arith.constant 0 : i32
    %scan3A_62 = arith.constant 12 : i32
    %scan3A_63 = arith.addi %scan3A_61, %scan3A_62 : i32
    %scan3A_64 = arith.constant 1 : i32
    scf.for %scan3A_66 = %scan3A_61 to %scan3A_63 step %scan3A_64  : i32 {
      %mul3A_67 = arith.constant 1 : i32
      %mul3A_68 = arith.muli %scan3A_66, %mul3A_67 : i32
      %add3A_69 = arith.constant 0 : i32
      %add3A_70 = arith.addi %add3A_69, %mul3A_68 : i32
      %jit3A_71 = arith.constant 6 : i32
      %div3A_72 = arith.divsi %add3A_70, %jit3A_71 : i32
      %sign3A_73 = arith.constant 0 : i32
      %sign3A_74 = arith.cmpi sgt, %add3A_70, %sign3A_73 : i32
      %sign3A_75 = arith.extui %sign3A_74 : i1 to i32
      %sign3A_76 = arith.constant 0 : i32
      %sign3A_77 = arith.cmpi slt, %add3A_70, %sign3A_76 : i32
      %sign3A_78 = arith.extui %sign3A_77 : i1 to i32
      %sign3A_79 = arith.subi %sign3A_75, %sign3A_78 : i32
      %sign3A_80 = arith.constant 0 : i32
      %sign3A_81 = arith.cmpi sgt, %jit3A_71, %sign3A_80 : i32
      %sign3A_82 = arith.extui %sign3A_81 : i1 to i32
      %sign3A_83 = arith.constant 0 : i32
      %sign3A_84 = arith.cmpi slt, %jit3A_71, %sign3A_83 : i32
      %sign3A_85 = arith.extui %sign3A_84 : i1 to i32
      %sign3A_86 = arith.subi %sign3A_82, %sign3A_85 : i32
      %ne3A_87 = arith.cmpi ne, %sign3A_79, %sign3A_86 : i32
      %rem3A_88 = arith.remsi %add3A_70, %jit3A_71 : i32
      %ne3A_89 = arith.constant 0 : i32
      %ne3A_90 = arith.cmpi ne, %rem3A_88, %ne3A_89 : i32
      %and3A_91 = arith.andi %ne3A_87, %ne3A_90 : i1
      %sub3A_92 = arith.constant 1 : i32
      %sub3A_93 = arith.subi %div3A_72, %sub3A_92 : i32
      %select_n3A_94 = arith.select %and3A_91, %sub3A_93, %div3A_72 : i32
      %mul3A_95 = arith.constant 6 : i32
      %mul3A_96 = arith.muli %arg1, %mul3A_95 : i32
      %jit3A_97 = arith.constant 6 : i32
      %eq3A_98 = arith.constant 0 : i32
      %eq3A_99 = arith.cmpi eq, %jit3A_97, %eq3A_98 : i32
      %jit3A_100 = arith.constant 1 : i32
      %select_n3A_101 = arith.select %eq3A_99, %jit3A_100, %jit3A_97 : i32
      %rem3A_102 = arith.remsi %add3A_70, %select_n3A_101 : i32
      %ne3A_103 = arith.constant 0 : i32
      %ne3A_104 = arith.cmpi ne, %rem3A_102, %ne3A_103 : i32
      %lt3A_105 = arith.constant 0 : i32
      %lt3A_106 = arith.cmpi slt, %rem3A_102, %lt3A_105 : i32
      %lt3A_107 = arith.constant 0 : i32
      %lt3A_108 = arith.cmpi slt, %select_n3A_101, %lt3A_107 : i32
      %ne3A_109 = arith.xori %lt3A_106, %lt3A_108 : i1
      %and3A_110 = arith.andi %ne3A_109, %ne3A_104 : i1
      %add3A_111 = arith.addi %rem3A_102, %select_n3A_101 : i32
      %select_n3A_112 = arith.select %and3A_110, %add3A_111, %rem3A_102 : i32
      %add3A_113 = arith.addi %mul3A_96, %select_n3A_112 : i32
      %mul3A_114 = arith.constant 2 : i32
      %mul3A_115 = arith.muli %mul3A_114, %arg0 : i32
      %add3A_116 = arith.addi %mul3A_115, %select_n3A_94 : i32
      %mul3A_117 = arith.constant 96 : i32
      %mul3A_118 = arith.muli %add3A_116, %mul3A_117 : i32
      %add3A_119 = arith.addi %mul3A_118, %add3A_113 : i32
      %mul3A_120 = arith.constant 224 : i32
      %mul3A_121 = arith.muli %add3A_119, %mul3A_120 : i32
      %mul3A_122 = arith.constant 50176 : i32
      %mul3A_123 = arith.muli %select_n3A_94, %mul3A_122 : i32
      %add3A_124 = arith.constant 0 : i32
      %add3A_125 = arith.addi %mul3A_123, %add3A_124 : i32
      %dma_start3A = arith.constant 0 : i32
      %dma_start3A_126 = arith.constant 0 : i32
      %dma_start3A_127 = arith.constant 0 : i32
      %dma_start3A_128 = tpu.memref_slice %arg7[%dma_start3A, %dma_start3A_126, %dma_start3A_127] : memref<2x4x3584xi32, #tpu.memory_space<vmem>> -> memref<1x4x3584xi32, #tpu.memory_space<vmem>>
      %dma_start3A_129 = tpu.memref_squeeze %dma_start3A_128 : memref<1x4x3584xi32, #tpu.memory_space<vmem>> -> memref<4x3584xi32, #tpu.memory_space<vmem>>
      %dma_start3A_130 = arith.constant 0 : i32
      %dma_start3A_131 = tpu.memref_slice %arg12[%dma_start3A_130, %add3A_125] : memref<4x100352xi32, #tpu.memory_space<vmem_shared>> -> memref<4x3584xi32, #tpu.memory_space<vmem_shared>>
      %dma_start3A_132 = arith.constant 0 : i32
      %dma_start3A_133 = arith.constant 0 : i32
      %dma_start3A_134 = tpu.memref_slice %arg7[%dma_start3A, %dma_start3A_132, %dma_start3A_133] : memref<2x4x3584xi32, #tpu.memory_space<vmem>> -> memref<1x4x3584xi32, #tpu.memory_space<vmem>>
      %dma_start3A_135 = tpu.memref_squeeze %dma_start3A_134 : memref<1x4x3584xi32, #tpu.memory_space<vmem>> -> memref<4x3584xi32, #tpu.memory_space<vmem>>
      %dma_start3A_136 = arith.constant 0 : i32
      %dma_start3A_137 = tpu.memref_slice %arg12[%dma_start3A_136, %add3A_125] : memref<4x100352xi32, #tpu.memory_space<vmem_shared>> -> memref<4x3584xi32, #tpu.memory_space<vmem_shared>>
      tpu.enqueue_dma source(%dma_start3A_137 : memref<4x3584xi32, #tpu.memory_space<vmem_shared>>) target(%dma_start3A_135 : memref<4x3584xi32, #tpu.memory_space<vmem>>) target_semaphore(%arg13 : memref<!tpu.dma_semaphore, #tpu.memory_space<semaphore_mem>>)
      "tpu.region"() ({
        %run_scoped3A = tpu.sem_alloc : memref<!tpu.dma_semaphore, #tpu.memory_space<semaphore_mem>>
        %dma_start3A_168 = arith.constant 0 : i32
        %dma_start3A_169 = tpu.memref_slice %arg2[%mul3A_121, %dma_start3A_168] : memref<86016x224xf32, #tpu.memory_space<hbm>> -> memref<224x224xf32, #tpu.memory_space<hbm>>
        %dma_start3A_170 = arith.constant 0 : i32
        %dma_start3A_171 = tpu.memref_slice %arg2[%mul3A_121, %dma_start3A_170] : memref<86016x224xf32, #tpu.memory_space<hbm>> -> memref<224x224xf32, #tpu.memory_space<hbm>>
        tpu.enqueue_dma source(%dma_start3A_171 : memref<224x224xf32, #tpu.memory_space<hbm>>) target(%arg6 : memref<224x224xf32, #tpu.memory_space<vmem>>) target_semaphore(%run_scoped3A : memref<!tpu.dma_semaphore, #tpu.memory_space<semaphore_mem>>)
        %dma_wait3A_172 = arith.constant 0 : i32
        %dma_wait3A_173 = tpu.memref_slice %arg2[%mul3A_121, %dma_wait3A_172] : memref<86016x224xf32, #tpu.memory_space<hbm>> -> memref<224x224xf32, #tpu.memory_space<hbm>>
        %dma_wait3A_174 = arith.constant 0 : i32
        %dma_wait3A_175 = tpu.memref_slice %arg2[%mul3A_121, %dma_wait3A_174] : memref<86016x224xf32, #tpu.memory_space<hbm>> -> memref<224x224xf32, #tpu.memory_space<hbm>>
        tpu.wait_dma2 semaphore(%run_scoped3A : memref<!tpu.dma_semaphore, #tpu.memory_space<semaphore_mem>>) src(%dma_wait3A_175 : memref<224x224xf32, #tpu.memory_space<hbm>>) dst(%arg6 : memref<224x224xf32, #tpu.memory_space<vmem>>)
        tpu.yield
      }) : () -> ()
      %scan3A_138 = arith.constant 0 : i32
      %scan3A_139 = arith.constant 7 : i32
      %scan3A_140 = arith.addi %scan3A_138, %scan3A_139 : i32
      %scan3A_141 = arith.constant 1 : i32
      scf.for %scan3A_168 = %scan3A_138 to %scan3A_140 step %scan3A_141  : i32 {
        %mul3A_169 = arith.constant 1 : i32
        %mul3A_170 = arith.muli %scan3A_168, %mul3A_169 : i32
        %add3A_171 = arith.constant 0 : i32
        %add3A_172 = arith.addi %add3A_171, %mul3A_170 : i32
        %mul3A_173 = arith.constant 2 : i32
        %mul3A_174 = arith.muli %mul3A_173, %add3A_172 : i32
        %add3A_175 = arith.constant 1 : i32
        %add3A_176 = arith.addi %mul3A_174, %add3A_175 : i32
        %mul3A_177 = arith.constant 3584 : i32
        %mul3A_178 = arith.muli %add3A_176, %mul3A_177 : i32
        %add3A_179 = arith.addi %mul3A_123, %mul3A_178 : i32
        %dma_start3A_180 = arith.constant 1 : i32
        %dma_start3A_181 = arith.constant 0 : i32
        %dma_start3A_182 = arith.constant 0 : i32
        %dma_start3A_183 = tpu.memref_slice %arg7[%dma_start3A_180, %dma_start3A_181, %dma_start3A_182] : memref<2x4x3584xi32, #tpu.memory_space<vmem>> -> memref<1x4x3584xi32, #tpu.memory_space<vmem>>
        %dma_start3A_184 = tpu.memref_squeeze %dma_start3A_183 : memref<1x4x3584xi32, #tpu.memory_space<vmem>> -> memref<4x3584xi32, #tpu.memory_space<vmem>>
        %dma_start3A_185 = arith.constant 0 : i32
        %dma_start3A_186 = tpu.memref_slice %arg12[%dma_start3A_185, %add3A_179] : memref<4x100352xi32, #tpu.memory_space<vmem_shared>> -> memref<4x3584xi32, #tpu.memory_space<vmem_shared>>
        %dma_start3A_187 = arith.constant 0 : i32
        %dma_start3A_188 = arith.constant 0 : i32
        %dma_start3A_189 = tpu.memref_slice %arg7[%dma_start3A_180, %dma_start3A_187, %dma_start3A_188] : memref<2x4x3584xi32, #tpu.memory_space<vmem>> -> memref<1x4x3584xi32, #tpu.memory_space<vmem>>
        %dma_start3A_190 = tpu.memref_squeeze %dma_start3A_189 : memref<1x4x3584xi32, #tpu.memory_space<vmem>> -> memref<4x3584xi32, #tpu.memory_space<vmem>>
        %dma_start3A_191 = arith.constant 0 : i32
        %dma_start3A_192 = tpu.memref_slice %arg12[%dma_start3A_191, %add3A_179] : memref<4x100352xi32, #tpu.memory_space<vmem_shared>> -> memref<4x3584xi32, #tpu.memory_space<vmem_shared>>
        tpu.enqueue_dma source(%dma_start3A_192 : memref<4x3584xi32, #tpu.memory_space<vmem_shared>>) target(%dma_start3A_190 : memref<4x3584xi32, #tpu.memory_space<vmem>>) target_semaphore(%arg14 : memref<!tpu.dma_semaphore, #tpu.memory_space<semaphore_mem>>)
        %dma_wait3A_193 = arith.constant 0 : i32
        %dma_wait3A_194 = arith.constant 0 : i32
        %dma_wait3A_195 = arith.constant 0 : i32
        %dma_wait3A_196 = tpu.memref_slice %arg7[%dma_wait3A_193, %dma_wait3A_194, %dma_wait3A_195] : memref<2x4x3584xi32, #tpu.memory_space<vmem>> -> memref<1x4x3584xi32, #tpu.memory_space<vmem>>
        %dma_wait3A_197 = tpu.memref_squeeze %dma_wait3A_196 : memref<1x4x3584xi32, #tpu.memory_space<vmem>> -> memref<4x3584xi32, #tpu.memory_space<vmem>>
        %dma_wait3A_198 = arith.constant 0 : i32
        %dma_wait3A_199 = arith.constant 0 : i32
        %dma_wait3A_200 = tpu.memref_slice %arg12[%dma_wait3A_198, %dma_wait3A_199] : memref<4x100352xi32, #tpu.memory_space<vmem_shared>> -> memref<4x3584xi32, #tpu.memory_space<vmem_shared>>
        %dma_wait3A_201 = arith.constant 0 : i32
        %dma_wait3A_202 = arith.constant 0 : i32
        %dma_wait3A_203 = tpu.memref_slice %arg7[%dma_wait3A_193, %dma_wait3A_201, %dma_wait3A_202] : memref<2x4x3584xi32, #tpu.memory_space<vmem>> -> memref<1x4x3584xi32, #tpu.memory_space<vmem>>
        %dma_wait3A_204 = tpu.memref_squeeze %dma_wait3A_203 : memref<1x4x3584xi32, #tpu.memory_space<vmem>> -> memref<4x3584xi32, #tpu.memory_space<vmem>>
        %dma_wait3A_205 = arith.constant 0 : i32
        %dma_wait3A_206 = arith.constant 0 : i32
        %dma_wait3A_207 = tpu.memref_slice %arg12[%dma_wait3A_205, %dma_wait3A_206] : memref<4x100352xi32, #tpu.memory_space<vmem_shared>> -> memref<4x3584xi32, #tpu.memory_space<vmem_shared>>
        tpu.wait_dma2 semaphore(%arg13 : memref<!tpu.dma_semaphore, #tpu.memory_space<semaphore_mem>>) src(%dma_wait3A_207 : memref<4x3584xi32, #tpu.memory_space<vmem_shared>>) dst(%dma_wait3A_204 : memref<4x3584xi32, #tpu.memory_space<vmem>>)
        %gt3A = arith.constant 0 : i32
        %gt3A_208 = arith.cmpi sgt, %add3A_172, %gt3A : i32
        %convert_element_type3A = arith.extui %gt3A_208 : i1 to i32
        %cond3A = arith.constant 0 : i32
        %cond3A_209 = arith.cmpi ne, %convert_element_type3A, %cond3A : i32
        scf.if %cond3A_209 {
          %dma_wait3A_279 = arith.constant 0 : i32
          %dma_wait3A_280 = arith.constant 0 : i32
          %dma_wait3A_281 = arith.constant 0 : i32
          %dma_wait3A_282 = tpu.memref_slice %arg8[%dma_wait3A_279, %dma_wait3A_280, %dma_wait3A_281] : memref<2x16x224xf32, #tpu.memory_space<vmem>> -> memref<1x16x224xf32, #tpu.memory_space<vmem>>
          %dma_wait3A_283 = tpu.memref_squeeze %dma_wait3A_282 : memref<1x16x224xf32, #tpu.memory_space<vmem>> -> memref<16x224xf32, #tpu.memory_space<vmem>>
          %dma_wait3A_284 = arith.constant 0 : i32
          %dma_wait3A_285 = tpu.memref_slice %arg5[%mul3A_121, %dma_wait3A_284] : memref<86016x224xf32, #tpu.memory_space<hbm>> -> memref<16x224xf32, #tpu.memory_space<hbm>>
          %dma_wait3A_286 = arith.constant 0 : i32
          %dma_wait3A_287 = tpu.memref_slice %arg5[%mul3A_121, %dma_wait3A_286] : memref<86016x224xf32, #tpu.memory_space<hbm>> -> memref<16x224xf32, #tpu.memory_space<hbm>>
          %dma_wait3A_288 = arith.constant 0 : i32
          %dma_wait3A_289 = arith.constant 0 : i32
          %dma_wait3A_290 = tpu.memref_slice %arg8[%dma_wait3A_279, %dma_wait3A_288, %dma_wait3A_289] : memref<2x16x224xf32, #tpu.memory_space<vmem>> -> memref<1x16x224xf32, #tpu.memory_space<vmem>>
          %dma_wait3A_291 = tpu.memref_squeeze %dma_wait3A_290 : memref<1x16x224xf32, #tpu.memory_space<vmem>> -> memref<16x224xf32, #tpu.memory_space<vmem>>
          tpu.wait_dma2 semaphore(%arg15 : memref<!tpu.dma_semaphore, #tpu.memory_space<semaphore_mem>>) src(%dma_wait3A_291 : memref<16x224xf32, #tpu.memory_space<vmem>>) dst(%dma_wait3A_287 : memref<16x224xf32, #tpu.memory_space<hbm>>)
        } else {
        }
        %scan3A_210 = arith.constant 0 : i32
        %scan3A_211 = arith.constant 16 : i32
        %scan3A_212 = arith.addi %scan3A_210, %scan3A_211 : i32
        %scan3A_213 = arith.constant 1 : i32
        scf.for %scan3A_279 = %scan3A_210 to %scan3A_212 step %scan3A_213  : i32 {
          %mul3A_280 = arith.constant 1 : i32
          %mul3A_281 = arith.muli %scan3A_279, %mul3A_280 : i32
          %add3A_282 = arith.constant 0 : i32
          %add3A_283 = arith.addi %add3A_282, %mul3A_281 : i32
          %parallel_loop3A = arith.constant 0 : i32
          %parallel_loop3A_284 = arith.constant 14 : i32
          %parallel_loop3A_285 = arith.constant 1 : i32
          scf.for %parallel_loop3A_286 = %parallel_loop3A to %parallel_loop3A_284 step %parallel_loop3A_285  : i32 {
            %parallel_loop3A_287 = arith.constant 224 : i32
            %parallel_loop3A_288 = arith.muli %add3A_283, %parallel_loop3A_287 : i32
            %parallel_loop3A_289 = arith.constant 16 : i32
            %parallel_loop3A_290 = arith.muli %parallel_loop3A_286, %parallel_loop3A_289 : i32
            %parallel_loop3A_291 = arith.addi %parallel_loop3A_288, %parallel_loop3A_290 : i32
            %parallel_loop3A_292 = arith.constant 0 : i32
            %parallel_loop3A_293 = arith.constant 0 : i32
            %parallel_loop3A_294 = arith.index_cast %parallel_loop3A_292 : i32 to index
            %parallel_loop3A_295 = arith.index_cast %parallel_loop3A_293 : i32 to index
            %parallel_loop3A_296 = arith.index_cast %parallel_loop3A_291 : i32 to index
            %parallel_loop3A_297 = tpu.vector_load %arg7[%parallel_loop3A_294, %parallel_loop3A_295, %parallel_loop3A_296] {strides = array<i32>} : memref<2x4x3584xi32, #tpu.memory_space<vmem>>, vector<16xi32>,
            %parallel_loop3A_298 = arith.constant 0 : i32
            %parallel_loop3A_299 = arith.constant 1 : i32
            %parallel_loop3A_300 = arith.index_cast %parallel_loop3A_298 : i32 to index
            %parallel_loop3A_301 = arith.index_cast %parallel_loop3A_299 : i32 to index
            %parallel_loop3A_302 = arith.index_cast %parallel_loop3A_291 : i32 to index
            %parallel_loop3A_303 = tpu.vector_load %arg7[%parallel_loop3A_300, %parallel_loop3A_301, %parallel_loop3A_302] {strides = array<i32>} : memref<2x4x3584xi32, #tpu.memory_space<vmem>>, vector<16xi32>,
            %parallel_loop3A_304 = arith.constant 8 : i32
            %parallel_loop3A_305 = vector.broadcast %parallel_loop3A_304 : i32 to vector<16xi32>
            %parallel_loop3A_306 = arith.shrsi %parallel_loop3A_297, %parallel_loop3A_305 : vector<16xi32>
            %parallel_loop3A_307 = arith.constant 255 : i32
            %parallel_loop3A_308 = vector.broadcast %parallel_loop3A_307 : i32 to vector<16xi32>
            %parallel_loop3A_309 = arith.andi %parallel_loop3A_297, %parallel_loop3A_308 : vector<16xi32>
            %parallel_loop3A_310 = arith.constant 8 : i32
            %parallel_loop3A_311 = vector.broadcast %parallel_loop3A_310 : i32 to vector<16xi32>
            %parallel_loop3A_312 = arith.shrsi %parallel_loop3A_303, %parallel_loop3A_311 : vector<16xi32>
            %parallel_loop3A_313 = arith.constant 255 : i32
            %parallel_loop3A_314 = vector.broadcast %parallel_loop3A_313 : i32 to vector<16xi32>
            %parallel_loop3A_315 = arith.andi %parallel_loop3A_303, %parallel_loop3A_314 : vector<16xi32>
            %parallel_loop3A_316 = tpu.vector_load_idx %arg6[%parallel_loop3A_306, %parallel_loop3A_309] : memref<224x224xf32, #tpu.memory_space<vmem>>[vector<16xi32>, vector<16xi32>], vector<16xf32>,
            %parallel_loop3A_317 = tpu.vector_load_idx %arg6[%parallel_loop3A_306, %parallel_loop3A_315] : memref<224x224xf32, #tpu.memory_space<vmem>>[vector<16xi32>, vector<16xi32>], vector<16xf32>,
            %parallel_loop3A_318 = tpu.vector_load_idx %arg6[%parallel_loop3A_312, %parallel_loop3A_309] : memref<224x224xf32, #tpu.memory_space<vmem>>[vector<16xi32>, vector<16xi32>], vector<16xf32>,
            %parallel_loop3A_319 = tpu.vector_load_idx %arg6[%parallel_loop3A_312, %parallel_loop3A_315] : memref<224x224xf32, #tpu.memory_space<vmem>>[vector<16xi32>, vector<16xi32>], vector<16xf32>,
            %parallel_loop3A_320 = arith.constant 0 : i32
            %parallel_loop3A_321 = arith.constant 2 : i32
            %parallel_loop3A_322 = arith.index_cast %parallel_loop3A_320 : i32 to index
            %parallel_loop3A_323 = arith.index_cast %parallel_loop3A_321 : i32 to index
            %parallel_loop3A_324 = arith.index_cast %parallel_loop3A_291 : i32 to index
            %parallel_loop3A_325 = tpu.vector_load %arg7[%parallel_loop3A_322, %parallel_loop3A_323, %parallel_loop3A_324] {strides = array<i32>} : memref<2x4x3584xi32, #tpu.memory_space<vmem>>, vector<16xi32>,
            %parallel_loop3A_326 = vector.bitcast %parallel_loop3A_325 : vector<16xi32> to vector<32xbf16>
            %parallel_loop3A_327 = tpu.unpack_subelements %parallel_loop3A_326, 0 {pack_format = #tpu.pack_format<interleaved>} : vector<32xbf16> -> vector<16xf32>
            %parallel_loop3A_328 = tpu.unpack_subelements %parallel_loop3A_326, 1 {pack_format = #tpu.pack_format<interleaved>} : vector<32xbf16> -> vector<16xf32>
            %parallel_loop3A_329 = arith.constant 0 : i32
            %parallel_loop3A_330 = arith.constant 3 : i32
            %parallel_loop3A_331 = arith.index_cast %parallel_loop3A_329 : i32 to index
            %parallel_loop3A_332 = arith.index_cast %parallel_loop3A_330 : i32 to index
            %parallel_loop3A_333 = arith.index_cast %parallel_loop3A_291 : i32 to index
            %parallel_loop3A_334 = tpu.vector_load %arg7[%parallel_loop3A_331, %parallel_loop3A_332, %parallel_loop3A_333] {strides = array<i32>} : memref<2x4x3584xi32, #tpu.memory_space<vmem>>, vector<16xi32>,
            %parallel_loop3A_335 = vector.bitcast %parallel_loop3A_334 : vector<16xi32> to vector<32xbf16>
            %parallel_loop3A_336 = tpu.unpack_subelements %parallel_loop3A_335, 0 {pack_format = #tpu.pack_format<interleaved>} : vector<32xbf16> -> vector<16xf32>
            %parallel_loop3A_337 = tpu.unpack_subelements %parallel_loop3A_335, 1 {pack_format = #tpu.pack_format<interleaved>} : vector<32xbf16> -> vector<16xf32>
            %parallel_loop3A_338 = arith.mulf %parallel_loop3A_316, %parallel_loop3A_327 : vector<16xf32>
            %parallel_loop3A_339 = arith.mulf %parallel_loop3A_317, %parallel_loop3A_328 : vector<16xf32>
            %parallel_loop3A_340 = arith.addf %parallel_loop3A_338, %parallel_loop3A_339 : vector<16xf32>
            %parallel_loop3A_341 = arith.mulf %parallel_loop3A_318, %parallel_loop3A_336 : vector<16xf32>
            %parallel_loop3A_342 = arith.addf %parallel_loop3A_340, %parallel_loop3A_341 : vector<16xf32>
            %parallel_loop3A_343 = arith.mulf %parallel_loop3A_319, %parallel_loop3A_337 : vector<16xf32>
            %parallel_loop3A_344 = arith.addf %parallel_loop3A_342, %parallel_loop3A_343 : vector<16xf32>
            %parallel_loop3A_345 = arith.constant 16 : i32
            %parallel_loop3A_346 = arith.muli %parallel_loop3A_286, %parallel_loop3A_345 : i32
            %parallel_loop3A_347 = arith.constant 0 : i32
            %parallel_loop3A_348 = arith.index_cast %parallel_loop3A_347 : i32 to index
            %parallel_loop3A_349 = arith.index_cast %add3A_283 : i32 to index
            %parallel_loop3A_350 = arith.index_cast %parallel_loop3A_346 : i32 to index
            %parallel_loop3A_351 = tpu.vector_load %arg8[%parallel_loop3A_348, %parallel_loop3A_349, %parallel_loop3A_350] {strides = array<i32>} : memref<2x16x224xf32, #tpu.memory_space<vmem>>, vector<16xf32>,
            tpu.vector_store %arg8[%parallel_loop3A_348, %parallel_loop3A_349, %parallel_loop3A_350], %parallel_loop3A_344 {strides = array<i32>} : memref<2x16x224xf32, #tpu.memory_space<vmem>>, vector<16xf32>,
          } {sc.loop_unroll_factor = 2 : i64, sc.parallel_access}
        }
        %scan3A_214 = arith.constant 16 : i32
        %mul3A_215 = arith.constant 16 : i32
        %mul3A_216 = arith.muli %mul3A_174, %mul3A_215 : i32
        %add3A_217 = arith.addi %mul3A_121, %mul3A_216 : i32
        %dma_start3A_218 = arith.constant 0 : i32
        %dma_start3A_219 = arith.constant 0 : i32
        %dma_start3A_220 = arith.constant 0 : i32
        %dma_start3A_221 = tpu.memref_slice %arg8[%dma_start3A_218, %dma_start3A_219, %dma_start3A_220] : memref<2x16x224xf32, #tpu.memory_space<vmem>> -> memref<1x16x224xf32, #tpu.memory_space<vmem>>
        %dma_start3A_222 = tpu.memref_squeeze %dma_start3A_221 : memref<1x16x224xf32, #tpu.memory_space<vmem>> -> memref<16x224xf32, #tpu.memory_space<vmem>>
        %dma_start3A_223 = arith.constant 0 : i32
        %dma_start3A_224 = tpu.memref_slice %arg5[%add3A_217, %dma_start3A_223] : memref<86016x224xf32, #tpu.memory_space<hbm>> -> memref<16x224xf32, #tpu.memory_space<hbm>>
        %dma_start3A_225 = arith.constant 0 : i32
        %dma_start3A_226 = tpu.memref_slice %arg5[%add3A_217, %dma_start3A_225] : memref<86016x224xf32, #tpu.memory_space<hbm>> -> memref<16x224xf32, #tpu.memory_space<hbm>>
        %dma_start3A_227 = arith.constant 0 : i32
        %dma_start3A_228 = arith.constant 0 : i32
        %dma_start3A_229 = tpu.memref_slice %arg8[%dma_start3A_218, %dma_start3A_227, %dma_start3A_228] : memref<2x16x224xf32, #tpu.memory_space<vmem>> -> memref<1x16x224xf32, #tpu.memory_space<vmem>>
        %dma_start3A_230 = tpu.memref_squeeze %dma_start3A_229 : memref<1x16x224xf32, #tpu.memory_space<vmem>> -> memref<16x224xf32, #tpu.memory_space<vmem>>
        tpu.enqueue_dma source(%dma_start3A_230 : memref<16x224xf32, #tpu.memory_space<vmem>>) target(%dma_start3A_226 : memref<16x224xf32, #tpu.memory_space<hbm>>) target_semaphore(%arg15 : memref<!tpu.dma_semaphore, #tpu.memory_space<semaphore_mem>>)
        %lt3A_231 = arith.constant 6 : i32
        %lt3A_232 = arith.cmpi slt, %add3A_172, %lt3A_231 : i32
        %convert_element_type3A_233 = arith.extui %lt3A_232 : i1 to i32
        %cond3A_234 = arith.constant 0 : i32
        %cond3A_235 = arith.cmpi ne, %convert_element_type3A_233, %cond3A_234 : i32
        scf.if %cond3A_235 {
          %add3A_279 = arith.constant 2 : i32
          %add3A_280 = arith.addi %mul3A_174, %add3A_279 : i32
          %mul3A_281 = arith.constant 3584 : i32
          %mul3A_282 = arith.muli %add3A_280, %mul3A_281 : i32
          %add3A_283 = arith.addi %mul3A_123, %mul3A_282 : i32
          %dma_start3A_284 = arith.constant 0 : i32
          %dma_start3A_285 = arith.constant 0 : i32
          %dma_start3A_286 = arith.constant 0 : i32
          %dma_start3A_287 = tpu.memref_slice %arg7[%dma_start3A_284, %dma_start3A_285, %dma_start3A_286] : memref<2x4x3584xi32, #tpu.memory_space<vmem>> -> memref<1x4x3584xi32, #tpu.memory_space<vmem>>
          %dma_start3A_288 = tpu.memref_squeeze %dma_start3A_287 : memref<1x4x3584xi32, #tpu.memory_space<vmem>> -> memref<4x3584xi32, #tpu.memory_space<vmem>>
          %dma_start3A_289 = arith.constant 0 : i32
          %dma_start3A_290 = tpu.memref_slice %arg12[%dma_start3A_289, %add3A_283] : memref<4x100352xi32, #tpu.memory_space<vmem_shared>> -> memref<4x3584xi32, #tpu.memory_space<vmem_shared>>
          %dma_start3A_291 = arith.constant 0 : i32
          %dma_start3A_292 = arith.constant 0 : i32
          %dma_start3A_293 = tpu.memref_slice %arg7[%dma_start3A_284, %dma_start3A_291, %dma_start3A_292] : memref<2x4x3584xi32, #tpu.memory_space<vmem>> -> memref<1x4x3584xi32, #tpu.memory_space<vmem>>
          %dma_start3A_294 = tpu.memref_squeeze %dma_start3A_293 : memref<1x4x3584xi32, #tpu.memory_space<vmem>> -> memref<4x3584xi32, #tpu.memory_space<vmem>>
          %dma_start3A_295 = arith.constant 0 : i32
          %dma_start3A_296 = tpu.memref_slice %arg12[%dma_start3A_295, %add3A_283] : memref<4x100352xi32, #tpu.memory_space<vmem_shared>> -> memref<4x3584xi32, #tpu.memory_space<vmem_shared>>
          tpu.enqueue_dma source(%dma_start3A_296 : memref<4x3584xi32, #tpu.memory_space<vmem_shared>>) target(%dma_start3A_294 : memref<4x3584xi32, #tpu.memory_space<vmem>>) target_semaphore(%arg13 : memref<!tpu.dma_semaphore, #tpu.memory_space<semaphore_mem>>)
        } else {
        }
        %dma_wait3A_236 = arith.constant 1 : i32
        %dma_wait3A_237 = arith.constant 0 : i32
        %dma_wait3A_238 = arith.constant 0 : i32
        %dma_wait3A_239 = tpu.memref_slice %arg7[%dma_wait3A_236, %dma_wait3A_237, %dma_wait3A_238] : memref<2x4x3584xi32, #tpu.memory_space<vmem>> -> memref<1x4x3584xi32, #tpu.memory_space<vmem>>
        %dma_wait3A_240 = tpu.memref_squeeze %dma_wait3A_239 : memref<1x4x3584xi32, #tpu.memory_space<vmem>> -> memref<4x3584xi32, #tpu.memory_space<vmem>>
        %dma_wait3A_241 = arith.constant 0 : i32
        %dma_wait3A_242 = arith.constant 0 : i32
        %dma_wait3A_243 = tpu.memref_slice %arg12[%dma_wait3A_241, %dma_wait3A_242] : memref<4x100352xi32, #tpu.memory_space<vmem_shared>> -> memref<4x3584xi32, #tpu.memory_space<vmem_shared>>
        %dma_wait3A_244 = arith.constant 0 : i32
        %dma_wait3A_245 = arith.constant 0 : i32
        %dma_wait3A_246 = tpu.memref_slice %arg7[%dma_wait3A_236, %dma_wait3A_244, %dma_wait3A_245] : memref<2x4x3584xi32, #tpu.memory_space<vmem>> -> memref<1x4x3584xi32, #tpu.memory_space<vmem>>
        %dma_wait3A_247 = tpu.memref_squeeze %dma_wait3A_246 : memref<1x4x3584xi32, #tpu.memory_space<vmem>> -> memref<4x3584xi32, #tpu.memory_space<vmem>>
        %dma_wait3A_248 = arith.constant 0 : i32
        %dma_wait3A_249 = arith.constant 0 : i32
        %dma_wait3A_250 = tpu.memref_slice %arg12[%dma_wait3A_248, %dma_wait3A_249] : memref<4x100352xi32, #tpu.memory_space<vmem_shared>> -> memref<4x3584xi32, #tpu.memory_space<vmem_shared>>
        tpu.wait_dma2 semaphore(%arg14 : memref<!tpu.dma_semaphore, #tpu.memory_space<semaphore_mem>>) src(%dma_wait3A_250 : memref<4x3584xi32, #tpu.memory_space<vmem_shared>>) dst(%dma_wait3A_247 : memref<4x3584xi32, #tpu.memory_space<vmem>>)
        %gt3A_251 = arith.constant 0 : i32
        %gt3A_252 = arith.cmpi sgt, %add3A_172, %gt3A_251 : i32
        %convert_element_type3A_253 = arith.extui %gt3A_252 : i1 to i32
        %cond3A_254 = arith.constant 0 : i32
        %cond3A_255 = arith.cmpi ne, %convert_element_type3A_253, %cond3A_254 : i32
        scf.if %cond3A_255 {
          %dma_wait3A_279 = arith.constant 1 : i32
          %dma_wait3A_280 = arith.constant 0 : i32
          %dma_wait3A_281 = arith.constant 0 : i32
          %dma_wait3A_282 = tpu.memref_slice %arg8[%dma_wait3A_279, %dma_wait3A_280, %dma_wait3A_281] : memref<2x16x224xf32, #tpu.memory_space<vmem>> -> memref<1x16x224xf32, #tpu.memory_space<vmem>>
          %dma_wait3A_283 = tpu.memref_squeeze %dma_wait3A_282 : memref<1x16x224xf32, #tpu.memory_space<vmem>> -> memref<16x224xf32, #tpu.memory_space<vmem>>
          %dma_wait3A_284 = arith.constant 0 : i32
          %dma_wait3A_285 = tpu.memref_slice %arg5[%mul3A_121, %dma_wait3A_284] : memref<86016x224xf32, #tpu.memory_space<hbm>> -> memref<16x224xf32, #tpu.memory_space<hbm>>
          %dma_wait3A_286 = arith.constant 0 : i32
          %dma_wait3A_287 = tpu.memref_slice %arg5[%mul3A_121, %dma_wait3A_286] : memref<86016x224xf32, #tpu.memory_space<hbm>> -> memref<16x224xf32, #tpu.memory_space<hbm>>
          %dma_wait3A_288 = arith.constant 0 : i32
          %dma_wait3A_289 = arith.constant 0 : i32
          %dma_wait3A_290 = tpu.memref_slice %arg8[%dma_wait3A_279, %dma_wait3A_288, %dma_wait3A_289] : memref<2x16x224xf32, #tpu.memory_space<vmem>> -> memref<1x16x224xf32, #tpu.memory_space<vmem>>
          %dma_wait3A_291 = tpu.memref_squeeze %dma_wait3A_290 : memref<1x16x224xf32, #tpu.memory_space<vmem>> -> memref<16x224xf32, #tpu.memory_space<vmem>>
          tpu.wait_dma2 semaphore(%arg16 : memref<!tpu.dma_semaphore, #tpu.memory_space<semaphore_mem>>) src(%dma_wait3A_291 : memref<16x224xf32, #tpu.memory_space<vmem>>) dst(%dma_wait3A_287 : memref<16x224xf32, #tpu.memory_space<hbm>>)
        } else {
        }
        %scan3A_256 = arith.constant 0 : i32
        %scan3A_257 = arith.constant 16 : i32
        %scan3A_258 = arith.addi %scan3A_256, %scan3A_257 : i32
        %scan3A_259 = arith.constant 1 : i32
        scf.for %scan3A_279 = %scan3A_256 to %scan3A_258 step %scan3A_259  : i32 {
          %mul3A_280 = arith.constant 1 : i32
          %mul3A_281 = arith.muli %scan3A_279, %mul3A_280 : i32
          %add3A_282 = arith.constant 0 : i32
          %add3A_283 = arith.addi %add3A_282, %mul3A_281 : i32
          %parallel_loop3A = arith.constant 0 : i32
          %parallel_loop3A_284 = arith.constant 14 : i32
          %parallel_loop3A_285 = arith.constant 1 : i32
          scf.for %parallel_loop3A_286 = %parallel_loop3A to %parallel_loop3A_284 step %parallel_loop3A_285  : i32 {
            %parallel_loop3A_287 = arith.constant 224 : i32
            %parallel_loop3A_288 = arith.muli %add3A_283, %parallel_loop3A_287 : i32
            %parallel_loop3A_289 = arith.constant 16 : i32
            %parallel_loop3A_290 = arith.muli %parallel_loop3A_286, %parallel_loop3A_289 : i32
            %parallel_loop3A_291 = arith.addi %parallel_loop3A_288, %parallel_loop3A_290 : i32
            %parallel_loop3A_292 = arith.constant 1 : i32
            %parallel_loop3A_293 = arith.constant 0 : i32
            %parallel_loop3A_294 = arith.index_cast %parallel_loop3A_292 : i32 to index
            %parallel_loop3A_295 = arith.index_cast %parallel_loop3A_293 : i32 to index
            %parallel_loop3A_296 = arith.index_cast %parallel_loop3A_291 : i32 to index
            %parallel_loop3A_297 = tpu.vector_load %arg7[%parallel_loop3A_294, %parallel_loop3A_295, %parallel_loop3A_296] {strides = array<i32>} : memref<2x4x3584xi32, #tpu.memory_space<vmem>>, vector<16xi32>,
            %parallel_loop3A_298 = arith.constant 1 : i32
            %parallel_loop3A_299 = arith.constant 1 : i32
            %parallel_loop3A_300 = arith.index_cast %parallel_loop3A_298 : i32 to index
            %parallel_loop3A_301 = arith.index_cast %parallel_loop3A_299 : i32 to index
            %parallel_loop3A_302 = arith.index_cast %parallel_loop3A_291 : i32 to index
            %parallel_loop3A_303 = tpu.vector_load %arg7[%parallel_loop3A_300, %parallel_loop3A_301, %parallel_loop3A_302] {strides = array<i32>} : memref<2x4x3584xi32, #tpu.memory_space<vmem>>, vector<16xi32>,
            %parallel_loop3A_304 = arith.constant 8 : i32
            %parallel_loop3A_305 = vector.broadcast %parallel_loop3A_304 : i32 to vector<16xi32>
            %parallel_loop3A_306 = arith.shrsi %parallel_loop3A_297, %parallel_loop3A_305 : vector<16xi32>
            %parallel_loop3A_307 = arith.constant 255 : i32
            %parallel_loop3A_308 = vector.broadcast %parallel_loop3A_307 : i32 to vector<16xi32>
            %parallel_loop3A_309 = arith.andi %parallel_loop3A_297, %parallel_loop3A_308 : vector<16xi32>
            %parallel_loop3A_310 = arith.constant 8 : i32
            %parallel_loop3A_311 = vector.broadcast %parallel_loop3A_310 : i32 to vector<16xi32>
            %parallel_loop3A_312 = arith.shrsi %parallel_loop3A_303, %parallel_loop3A_311 : vector<16xi32>
            %parallel_loop3A_313 = arith.constant 255 : i32
            %parallel_loop3A_314 = vector.broadcast %parallel_loop3A_313 : i32 to vector<16xi32>
            %parallel_loop3A_315 = arith.andi %parallel_loop3A_303, %parallel_loop3A_314 : vector<16xi32>
            %parallel_loop3A_316 = tpu.vector_load_idx %arg6[%parallel_loop3A_306, %parallel_loop3A_309] : memref<224x224xf32, #tpu.memory_space<vmem>>[vector<16xi32>, vector<16xi32>], vector<16xf32>,
            %parallel_loop3A_317 = tpu.vector_load_idx %arg6[%parallel_loop3A_306, %parallel_loop3A_315] : memref<224x224xf32, #tpu.memory_space<vmem>>[vector<16xi32>, vector<16xi32>], vector<16xf32>,
            %parallel_loop3A_318 = tpu.vector_load_idx %arg6[%parallel_loop3A_312, %parallel_loop3A_309] : memref<224x224xf32, #tpu.memory_space<vmem>>[vector<16xi32>, vector<16xi32>], vector<16xf32>,
            %parallel_loop3A_319 = tpu.vector_load_idx %arg6[%parallel_loop3A_312, %parallel_loop3A_315] : memref<224x224xf32, #tpu.memory_space<vmem>>[vector<16xi32>, vector<16xi32>], vector<16xf32>,
            %parallel_loop3A_320 = arith.constant 1 : i32
            %parallel_loop3A_321 = arith.constant 2 : i32
            %parallel_loop3A_322 = arith.index_cast %parallel_loop3A_320 : i32 to index
            %parallel_loop3A_323 = arith.index_cast %parallel_loop3A_321 : i32 to index
            %parallel_loop3A_324 = arith.index_cast %parallel_loop3A_291 : i32 to index
            %parallel_loop3A_325 = tpu.vector_load %arg7[%parallel_loop3A_322, %parallel_loop3A_323, %parallel_loop3A_324] {strides = array<i32>} : memref<2x4x3584xi32, #tpu.memory_space<vmem>>, vector<16xi32>,
            %parallel_loop3A_326 = vector.bitcast %parallel_loop3A_325 : vector<16xi32> to vector<32xbf16>
            %parallel_loop3A_327 = tpu.unpack_subelements %parallel_loop3A_326, 0 {pack_format = #tpu.pack_format<interleaved>} : vector<32xbf16> -> vector<16xf32>
            %parallel_loop3A_328 = tpu.unpack_subelements %parallel_loop3A_326, 1 {pack_format = #tpu.pack_format<interleaved>} : vector<32xbf16> -> vector<16xf32>
            %parallel_loop3A_329 = arith.constant 1 : i32
            %parallel_loop3A_330 = arith.constant 3 : i32
            %parallel_loop3A_331 = arith.index_cast %parallel_loop3A_329 : i32 to index
            %parallel_loop3A_332 = arith.index_cast %parallel_loop3A_330 : i32 to index
            %parallel_loop3A_333 = arith.index_cast %parallel_loop3A_291 : i32 to index
            %parallel_loop3A_334 = tpu.vector_load %arg7[%parallel_loop3A_331, %parallel_loop3A_332, %parallel_loop3A_333] {strides = array<i32>} : memref<2x4x3584xi32, #tpu.memory_space<vmem>>, vector<16xi32>,
            %parallel_loop3A_335 = vector.bitcast %parallel_loop3A_334 : vector<16xi32> to vector<32xbf16>
            %parallel_loop3A_336 = tpu.unpack_subelements %parallel_loop3A_335, 0 {pack_format = #tpu.pack_format<interleaved>} : vector<32xbf16> -> vector<16xf32>
            %parallel_loop3A_337 = tpu.unpack_subelements %parallel_loop3A_335, 1 {pack_format = #tpu.pack_format<interleaved>} : vector<32xbf16> -> vector<16xf32>
            %parallel_loop3A_338 = arith.mulf %parallel_loop3A_316, %parallel_loop3A_327 : vector<16xf32>
            %parallel_loop3A_339 = arith.mulf %parallel_loop3A_317, %parallel_loop3A_328 : vector<16xf32>
            %parallel_loop3A_340 = arith.addf %parallel_loop3A_338, %parallel_loop3A_339 : vector<16xf32>
            %parallel_loop3A_341 = arith.mulf %parallel_loop3A_318, %parallel_loop3A_336 : vector<16xf32>
            %parallel_loop3A_342 = arith.addf %parallel_loop3A_340, %parallel_loop3A_341 : vector<16xf32>
            %parallel_loop3A_343 = arith.mulf %parallel_loop3A_319, %parallel_loop3A_337 : vector<16xf32>
            %parallel_loop3A_344 = arith.addf %parallel_loop3A_342, %parallel_loop3A_343 : vector<16xf32>
            %parallel_loop3A_345 = arith.constant 16 : i32
            %parallel_loop3A_346 = arith.muli %parallel_loop3A_286, %parallel_loop3A_345 : i32
            %parallel_loop3A_347 = arith.constant 1 : i32
            %parallel_loop3A_348 = arith.index_cast %parallel_loop3A_347 : i32 to index
            %parallel_loop3A_349 = arith.index_cast %add3A_283 : i32 to index
            %parallel_loop3A_350 = arith.index_cast %parallel_loop3A_346 : i32 to index
            %parallel_loop3A_351 = tpu.vector_load %arg8[%parallel_loop3A_348, %parallel_loop3A_349, %parallel_loop3A_350] {strides = array<i32>} : memref<2x16x224xf32, #tpu.memory_space<vmem>>, vector<16xf32>,
            tpu.vector_store %arg8[%parallel_loop3A_348, %parallel_loop3A_349, %parallel_loop3A_350], %parallel_loop3A_344 {strides = array<i32>} : memref<2x16x224xf32, #tpu.memory_space<vmem>>, vector<16xf32>,
          } {sc.loop_unroll_factor = 2 : i64, sc.parallel_access}
        }
        %scan3A_260 = arith.constant 16 : i32
        %add3A_261 = arith.constant 1 : i32
        %add3A_262 = arith.addi %mul3A_174, %add3A_261 : i32
        %mul3A_263 = arith.constant 16 : i32
        %mul3A_264 = arith.muli %add3A_262, %mul3A_263 : i32
        %add3A_265 = arith.addi %mul3A_121, %mul3A_264 : i32
        %dma_start3A_266 = arith.constant 1 : i32
        %dma_start3A_267 = arith.constant 0 : i32
        %dma_start3A_268 = arith.constant 0 : i32
        %dma_start3A_269 = tpu.memref_slice %arg8[%dma_start3A_266, %dma_start3A_267, %dma_start3A_268] : memref<2x16x224xf32, #tpu.memory_space<vmem>> -> memref<1x16x224xf32, #tpu.memory_space<vmem>>
        %dma_start3A_270 = tpu.memref_squeeze %dma_start3A_269 : memref<1x16x224xf32, #tpu.memory_space<vmem>> -> memref<16x224xf32, #tpu.memory_space<vmem>>
        %dma_start3A_271 = arith.constant 0 : i32
        %dma_start3A_272 = tpu.memref_slice %arg5[%add3A_265, %dma_start3A_271] : memref<86016x224xf32, #tpu.memory_space<hbm>> -> memref<16x224xf32, #tpu.memory_space<hbm>>
        %dma_start3A_273 = arith.constant 0 : i32
        %dma_start3A_274 = tpu.memref_slice %arg5[%add3A_265, %dma_start3A_273] : memref<86016x224xf32, #tpu.memory_space<hbm>> -> memref<16x224xf32, #tpu.memory_space<hbm>>
        %dma_start3A_275 = arith.constant 0 : i32
        %dma_start3A_276 = arith.constant 0 : i32
        %dma_start3A_277 = tpu.memref_slice %arg8[%dma_start3A_266, %dma_start3A_275, %dma_start3A_276] : memref<2x16x224xf32, #tpu.memory_space<vmem>> -> memref<1x16x224xf32, #tpu.memory_space<vmem>>
        %dma_start3A_278 = tpu.memref_squeeze %dma_start3A_277 : memref<1x16x224xf32, #tpu.memory_space<vmem>> -> memref<16x224xf32, #tpu.memory_space<vmem>>
        tpu.enqueue_dma source(%dma_start3A_278 : memref<16x224xf32, #tpu.memory_space<vmem>>) target(%dma_start3A_274 : memref<16x224xf32, #tpu.memory_space<hbm>>) target_semaphore(%arg16 : memref<!tpu.dma_semaphore, #tpu.memory_space<semaphore_mem>>)
      }
      %scan3A_142 = arith.constant 7 : i32
      %dma_wait3A = arith.constant 0 : i32
      %dma_wait3A_143 = arith.constant 0 : i32
      %dma_wait3A_144 = arith.constant 0 : i32
      %dma_wait3A_145 = tpu.memref_slice %arg8[%dma_wait3A, %dma_wait3A_143, %dma_wait3A_144] : memref<2x16x224xf32, #tpu.memory_space<vmem>> -> memref<1x16x224xf32, #tpu.memory_space<vmem>>
      %dma_wait3A_146 = tpu.memref_squeeze %dma_wait3A_145 : memref<1x16x224xf32, #tpu.memory_space<vmem>> -> memref<16x224xf32, #tpu.memory_space<vmem>>
      %dma_wait3A_147 = arith.constant 0 : i32
      %dma_wait3A_148 = tpu.memref_slice %arg5[%mul3A_121, %dma_wait3A_147] : memref<86016x224xf32, #tpu.memory_space<hbm>> -> memref<16x224xf32, #tpu.memory_space<hbm>>
      %dma_wait3A_149 = arith.constant 0 : i32
      %dma_wait3A_150 = tpu.memref_slice %arg5[%mul3A_121, %dma_wait3A_149] : memref<86016x224xf32, #tpu.memory_space<hbm>> -> memref<16x224xf32, #tpu.memory_space<hbm>>
      %dma_wait3A_151 = arith.constant 0 : i32
      %dma_wait3A_152 = arith.constant 0 : i32
      %dma_wait3A_153 = tpu.memref_slice %arg8[%dma_wait3A, %dma_wait3A_151, %dma_wait3A_152] : memref<2x16x224xf32, #tpu.memory_space<vmem>> -> memref<1x16x224xf32, #tpu.memory_space<vmem>>
      %dma_wait3A_154 = tpu.memref_squeeze %dma_wait3A_153 : memref<1x16x224xf32, #tpu.memory_space<vmem>> -> memref<16x224xf32, #tpu.memory_space<vmem>>
      tpu.wait_dma2 semaphore(%arg15 : memref<!tpu.dma_semaphore, #tpu.memory_space<semaphore_mem>>) src(%dma_wait3A_154 : memref<16x224xf32, #tpu.memory_space<vmem>>) dst(%dma_wait3A_150 : memref<16x224xf32, #tpu.memory_space<hbm>>)
      %dma_wait3A_155 = arith.constant 1 : i32
      %dma_wait3A_156 = arith.constant 0 : i32
      %dma_wait3A_157 = arith.constant 0 : i32
      %dma_wait3A_158 = tpu.memref_slice %arg8[%dma_wait3A_155, %dma_wait3A_156, %dma_wait3A_157] : memref<2x16x224xf32, #tpu.memory_space<vmem>> -> memref<1x16x224xf32, #tpu.memory_space<vmem>>
      %dma_wait3A_159 = tpu.memref_squeeze %dma_wait3A_158 : memref<1x16x224xf32, #tpu.memory_space<vmem>> -> memref<16x224xf32, #tpu.memory_space<vmem>>
      %dma_wait3A_160 = arith.constant 0 : i32
      %dma_wait3A_161 = tpu.memref_slice %arg5[%mul3A_121, %dma_wait3A_160] : memref<86016x224xf32, #tpu.memory_space<hbm>> -> memref<16x224xf32, #tpu.memory_space<hbm>>
      %dma_wait3A_162 = arith.constant 0 : i32
      %dma_wait3A_163 = tpu.memref_slice %arg5[%mul3A_121, %dma_wait3A_162] : memref<86016x224xf32, #tpu.memory_space<hbm>> -> memref<16x224xf32, #tpu.memory_space<hbm>>
      %dma_wait3A_164 = arith.constant 0 : i32
      %dma_wait3A_165 = arith.constant 0 : i32
      %dma_wait3A_166 = tpu.memref_slice %arg8[%dma_wait3A_155, %dma_wait3A_164, %dma_wait3A_165] : memref<2x16x224xf32, #tpu.memory_space<vmem>> -> memref<1x16x224xf32, #tpu.memory_space<vmem>>
      %dma_wait3A_167 = tpu.memref_squeeze %dma_wait3A_166 : memref<1x16x224xf32, #tpu.memory_space<vmem>> -> memref<16x224xf32, #tpu.memory_space<vmem>>
      tpu.wait_dma2 semaphore(%arg16 : memref<!tpu.dma_semaphore, #tpu.memory_space<semaphore_mem>>) src(%dma_wait3A_167 : memref<16x224xf32, #tpu.memory_space<vmem>>) dst(%dma_wait3A_163 : memref<16x224xf32, #tpu.memory_space<hbm>>)
    }
    %scan3A_65 = arith.constant 12 : i32
    return
  }
}

</mosaic_0001>

<sc_bundles>
// kernel: kernel.3.cloned.1.call-start
scs
__scs_entry_jumppad:
0x0: {  	(pc) =	sbr.rel $0x88, $3  }
0x1: {  	(tag) =	ssettag $0x0;
	lr =	simm.s32 $0x1  }
0x2: {  	[smem:$0x3F9F] =	sst lr;
	_ =	strace $0xD0000000  }
0x3: {  	_ = 	snop  }
0x4: {  	_ = 	snop  }
0x5: {  	_ = 	snop  }
0x6: {  	_ = 	snop  }
0x7: {  	_ = 	snop  }
__scs_overlays_trampoline_lowered:
0x8: {  	[smem:$0x3FAE] =	sst s0  }
0x9: {  	[smem:$0x3FAF] =	sst s1  }
0xa: {  	[smem:$0x3FB0] =	sst s2  }
0xb: {  	[smem:$0x3FB1] =	sst s3  }
0xc: {  	[smem:$0x3FB2] =	sst s4  }
0xd: {  	[smem:$0x3FB3] =	sst s5  }
0xe: {  	[smem:$0x3FB4] =	sst s6  }
0xf: {  	[smem:$0x3FB5] =	sst s7  }
0x10: {  	[smem:$0x3FB6] =	sst s8  }
0x11: {  	[smem:$0x3FB7] =	sst s9;
	s0 =	simm.s32 @!p0 $0x0  }
0x12: {  	s1 =	sld [smem:$0x3F9D];
	s0 =	simm.s32 @p0 $0x1  }
0x13: {  	[smem:$0x3FB8] =	sst s0;
	s0 =	simm.s32 @!p1 $0x0  }
0x14: {  	s2 =	sld [smem:$0x3F9C];
	s0 =	simm.s32 @p1 $0x1  }
0x15: {  	[smem:$0x3FB9] =	sst s0;
	s0 =	simm.s32 @!p2 $0x0  }
0x16: {  	s3 =	sld [smem:$0x3FDB];
	s0 =	simm.s32 @p2 $0x1  }
0x17: {  	s4 =	simm.s32 $0x1BF5;
	[smem:$0x3FBB] =	sst s0  }
0x18: {  	s0 =	sld [smem:$0x3F9E];
	_ =	swait.ge [sflag:s4], $0x0  }
0x19: {  	s7 =	sld [smem:$0x3F9F]  }
0x1a: {  	s8 =	sadd.s32 $0xFFFFE003, lr  }
0x1b: {  	s9 =	sadd.s32 $0xFFFFFEF7, lr;
	s5 =	simm.s32 $0xFFFFFFFF;
	p2 =	slt.u32 s8, $0xFFFFF086  }
0x1c: {  	p1 =	slt.u32 s9, $0xF7A;
	s5 =	simm.s32 @!p2 $0x0  }
0x1d: {  	s5 =	simm.s32 @p1 $0x1;
	p0 =	seq.s32 s7, s2  }
0x1e: {  	s7 =	smul.u32 @!p0 $0xF7A, s2;
	p2 =	seq.s32 @!p0 s5, $0x0  }
0x1f: {  	s9 =	smul.u32 $0xF7A, s1;
	s8 =	simm.s32 @!p0 $0x1BF5;
	p2 =	por !p2, p0  }
0x20: {  	[sflag:s8] =	ssyncset.s32 @!p0 $0xFFFFF086;
	s6 =	sadd.s32 @!p0 s3, s7;
	s7 =	simm.s32 @!p0 $0x108  }
0x21: {  	s3 =	sadd.s32 s3, s9;
	s6 =	sadd.s32 @!p0 $0x88, s6;
	s7 =	simm.s32 @p2 $0x1082  }
0x22: {  	[simem:s7], [sflag:s8] =	dma.local @!p0 [hbm:s6], $0xF7A  }
0x23: {  	s9 =	sor.u32 $0xD0000000, s2;
	s6 =	simm.s32 $0x108;
	_ =	swait.ge @!p0 [sflag:s8], $0x0  }
0x24: {  	s3 =	sadd.s32 $0x88, s3;
	s6 =	simm.s32 @!p1 $0x1082;
	[sflag:s4] =	ssyncset.s32 $0xFFFFF086  }
0x25: {  	[simem:s6], [sflag:s4] =	dma.local [hbm:s3], $0xF7A  }
0x26: {  	[smem:$0x3F9F] =	sst s1;
	(tag) =	ssettag s2;
	_ =	strace s9  }
0x27: {  	s1 =	sld [smem:$0x3FAF]  }
0x28: {  	s2 =	sld [smem:$0x3FB0]  }
0x29: {  	s4 =	sld [smem:$0x3FB2]  }
0x2a: {  	p0 =	seq.s32 s5, $0x0;
	s5 =	sld [smem:$0x3FB3]  }
0x2b: {  	s6 =	sld [smem:$0x3FB4]  }
0x2c: {  	s7 =	sld [smem:$0x3FB5]  }
0x2d: {  	s3 =	simm.s32 $0x108;
	s8 =	sld [smem:$0x3FB6]  }
0x2e: {  	s3 =	simm.s32 @!p0 $0x1082;
	s9 =	sld [smem:$0x3FB7]  }
0x2f: {  	lr =	sadd.s32 s0, s3;
	s0 =	sld [smem:$0x3FAE]  }
0x30: {  	s3 =	sld [smem:$0x3FB1]  }
0x31: {  	[smem:$0x3FBA] =	sst s10  }
0x32: {  	s10 =	sld [smem:$0x3FB8];
	_ =	sdelay $0x3  }
0x33: {  	p0 =	seq.s32 s10, $0x1;
	s10 =	sld [smem:$0x3FBA];
	_ =	sdelay $0x3  }
0x34: {  	[smem:$0x3FBA] =	sst s10  }
0x35: {  	s10 =	sld [smem:$0x3FB9];
	_ =	sdelay $0x3  }
0x36: {  	p1 =	seq.s32 s10, $0x1;
	s10 =	sld [smem:$0x3FBA];
	_ =	sdelay $0x3  }
0x37: {  	[smem:$0x3FBA] =	sst s10  }
0x38: {  	s10 =	sld [smem:$0x3FBB]  }
0x39: {  	_ = 	snop;
	(pc) =	sbr.ind lr, $3  }
0x3a: {  	_ = 	snop  }
0x3b: {  	_ = 	snop  }
0x3c: {  	p2 =	seq.s32 s10, $0x1;
	s10 =	sld [smem:$0x3FBA]  }
0x3d: {  	_ =	shalt  }
0x3e: {  	_ =	shalt  }
0x3f: {  	_ =	shalt  }
0x40: {  	_ =	shalt  }
0x41: {  	_ =	shalt  }
0x42: {  	_ =	shalt  }
0x43: {  	_ =	shalt  }
0x44: {  	_ =	shalt  }
0x45: {  	_ =	shalt  }
0x46: {  	_ =	shalt  }
0x47: {  	_ =	shalt  }
0x48: {  	_ =	shalt  }
0x49: {  	_ =	shalt  }
0x4a: {  	_ =	shalt  }
0x4b: {  	_ =	shalt  }
0x4c: {  	_ =	shalt  }
0x4d: {  	_ =	shalt  }
0x4e: {  	_ =	shalt  }
0x4f: {  	_ =	shalt  }
0x50: {  	_ =	shalt  }
0x51: {  	_ =	shalt  }
0x52: {  	_ =	shalt  }
0x53: {  	_ =	shalt  }
0x54: {  	_ =	shalt  }
0x55: {  	_ =	shalt  }
0x56: {  	_ =	shalt  }
0x57: {  	_ =	shalt  }
0x58: {  	_ =	shalt  }
0x59: {  	_ =	shalt  }
0x5a: {  	_ =	shalt  }
0x5b: {  	_ =	shalt  }
0x5c: {  	_ =	shalt  }
0x5d: {  	_ =	shalt  }
0x5e: {  	_ =	shalt  }
0x5f: {  	_ =	shalt  }
0x60: {  	_ =	shalt  }
0x61: {  	_ =	shalt  }
0x62: {  	_ =	shalt  }
0x63: {  	_ =	shalt  }
0x64: {  	_ =	shalt  }
0x65: {  	_ =	shalt  }
0x66: {  	_ =	shalt  }
0x67: {  	_ =	shalt  }
0x68: {  	_ =	shalt  }
0x69: {  	_ =	shalt  }
0x6a: {  	_ =	shalt  }
0x6b: {  	_ =	shalt  }
0x6c: {  	_ =	shalt  }
0x6d: {  	_ =	shalt  }
0x6e: {  	_ =	shalt  }
0x6f: {  	_ =	shalt  }
0x70: {  	_ =	shalt  }
0x71: {  	_ =	shalt  }
0x72: {  	_ =	shalt  }
0x73: {  	_ =	shalt  }
0x74: {  	_ =	shalt  }
0x75: {  	_ =	shalt  }
0x76: {  	_ =	shalt  }
0x77: {  	_ =	shalt  }
0x78: {  	_ =	shalt  }
0x79: {  	_ =	shalt  }
0x7a: {  	_ =	shalt  }
0x7b: {  	_ =	shalt  }
0x7c: {  	_ =	shalt  }
0x7d: {  	_ =	shalt  }
0x7e: {  	_ =	shalt  }
0x7f: {  	_ =	shalt  }
0x80: {  	_ =	shalt  }
0x81: {  	_ =	shalt  }
0x82: {  	_ =	shalt  }
0x83: {  	_ =	shalt  }
0x84: {  	_ =	shalt  }
0x85: {  	_ =	shalt  }
0x86: {  	_ =	shalt  }
0x87: {  	_ =	shalt  }
.Lfunc_end0:
.L_simem_size_0:
called_computation_lowered:
.L_overlay_start_0:
0x88: {  	s2 =	sld [smem:$0x3FD9]  }
0x89: {  	s3 =	sld [smem:$0x3FFE];
	_ =	sdelay $0x1  }
0x8a: {  	s1 =	srdreg.scid  }
0x8b: {  	s0 =	sand.u32 $0x1, s1  }
0x8c: {  	s17 =	sshll.u32 s0, $0xA;
	s2 =	sadd.s32 s3, s2  }
0x8d: {  	s2 =	sadd.s32 s2, s17  }
0x8e: {  	[smem:$0x3FC6] =	sst s2  }
0x8f: {  	_ = 	snop  }
0x90: {  	s2 =	sld [smem:$0x3FC8]  }
0x91: {  	s18 =	sld [smem:$0x3FD0];
	(tm) =	ssettm $0x1  }
0x92: {  	s4 =	sld [smem:$0x3FFB];
	_ =	sdelay $0x3  }
0x93: {  	_ =	strace s4  }
0x94: {  	s4 =	sld [smem:$0x3FFC];
	_ =	sdelay $0x3  }
0x95: {  	_ =	strace s4  }
0x96: {  	s4 =	sld [smem:$0x3FFD];
	_ =	sdelay $0x3  }
0x97: {  	_ =	strace s4  }
0x98: {  	_ =	strace $0x8FFFFFFF  }
0x99: {  	s19 =	sld [smem:$0x3FDB];
	_ =	sdelay $0x1  }
0x9a: {  	s5 =	simm.s32 $_scs_section_size  }
0x9b: {  	s6 =	simm.s32 $_size__tile_overlayer_lowered;
	s7 =	simm.s32 $_tile_overlayer_lowered  }
0x9c: {  	s22 =	simm.s32 $0x1BFF;
	s21 =	sshll.u32 s7, $0x1;
	s4 =	sadd.s32 s5, s19  }
0x9d: {  	s8 =	simm.s32 $0x0;
	s20 =	sshll.u32 s6, $0x1;
	s6 =	sadd.s32 s21, s4  }
0x9e: {  	[timem:s8], [sflag:s22] =	dma.local [hbm:s6], s20  }
0x9f: {  	_ =	swait.ge [sflag:s22], s20  }
0xa0: {  	s5 =	ssub.s32 $0x0, s20;
	[sflag:s22] =	ssyncset.done $0x0  }
0xa1: {  	[sflag:s22] =	ssyncadd.s32 s5;
	_ =	sdelay $0x1  }
0xa2: {  	s23 =	simm.s32 $0x1B8B  }
0xa3: {  	_ =	swait.ge [sflag:s23], $0x1  }
0xa4: {  	[sflag:s23] =	ssyncset.done $0x0  }
0xa5: {  	s25 =	simm.s32 $0x1B8E;
	s24 =	sld [smem:$0x3FFE];
	[sflag:s23] =	ssyncadd.s32 $0xFFFFFFFF  }
0xa6: {  	s26 =	simm.s32 $execute0_lowered;
	[smem:$0x3FD2] =	sst s25  }
0xa7: {  	s6 =	sshll.u32 s26, $0x1;
	_ =	strace $0x80000046;
	[dreg:$0x1] =	wrdreg $0xFFFFFFFF  }
0xa8: {  	s28 =	simm.s32 $_size_execute0_lowered;
	s4 =	sadd.s32 s4, s6;
	[dreg:$0x0] =	wrdreg $0x0  }
0xa9: {  	s6 =	sshll.u32 s28, $0x1;
	[dreg:$0x2] =	wrdreg s4  }
0xaa: {  	[dreg:$0x3] =	wrdreg s6  }
0xab: {  	[dreg:$0x4] =	wrdreg $0xC0  }
0xac: {  	_ =	task [dreg:s8], $0x5FFFF  }
0xad: {  	[dreg:$0x1] =	wrdreg $0xFFFFFFFF  }
0xae: {  	[dreg:$0x0] =	wrdreg $0x60  }
0xaf: {  	[dreg:$0x2] =	wrdreg s2  }
0xb0: {  	[dreg:$0x3] =	wrdreg s24  }
0xb1: {  	[dreg:$0x4] =	wrdreg s18  }
0xb2: {  	[dreg:$0x5] =	wrdreg $0x185000  }
0xb3: {  	[dreg:$0x6] =	wrdreg $0x9  }
0xb4: {  	_ =	task.clear_ibuf [dreg:s8], $0x7FFFF;
	_ =	strace $0x90000046  }
0xb5: {  	s29 =	simm.s32 $0x9;
	_ =	strace $0x80000048  }
0xb6: {  	_ =	swait.ge [sflag:s29], $0x1  }
0xb7: {  	[sflag:s29] =	ssyncadd.s32 $0xFFFFFFFF  }
0xb8: {  	_ =	strace $0x90000048  }
0xb9: {  	_ =	sfence  }
0xba: {  	s30 =	sld [smem:$0x0];
	_ =	sdelay $0x2  }
0xbb: {  	s31 =	sshll.u32 s1, $0xD;
	s1 =	sshrl.u32 s1, $0x2  }
0xbc: {  	s3 =	sand.u32 $0x4000, s31;
	s1 =	sadd.s32 s1, s30  }
0xbd: {  	s0 =	sor.u32 s3, s0;
	s1 =	sshll.u32 s1, $0x11  }
0xbe: {  	s0 =	sor.u32 s1, s0  }
0xbf: {  	s0 =	sadd.s32 $0x8F2B, s0  }
0xc0: {  	[sflag:s0] =	ssyncadd.remote.s32 $0x1  }
0xc1: {  	_ =	sfence.sel $0xFFFF  }
0xc2: {  	[dreg:$0x0] =	wrdreg $0xFFFFFFFF;
	(pc) =	sbr.abs _section_cstart, $3  }
0xc3: {  	[dreg:$0x1] =	wrdreg $0xFFFFFFFF  }
0xc4: {  	_ =	task.clear_ibuf [dreg:s8], $0x2FFFF;
	_ =	strace $0x9FFFFFFF  }
0xc5: {  	(tm) =	ssettm $0x7FFFFFFF  }
tec
execute0_lowered:
.L_overlay_start_1:
0x0: {  	(tag) =	ssettag $0x1  }
0x1: {  	s0 =	rddreg [dreg:$0x1];
	s1 =	srdreg.scid  }
0x2: {  	s3 =	rddreg [dreg:$0x2];
	s8 =	stileid.u32  }
0x3: {  	s4 =	rddreg [dreg:$0x3];
	s6 =	simm.s32 $0x0;
	s15 =	simm.s32 $0x17000  }
0x4: {  	s16 =	simm.s32 $0x5;
	s18 =	simm.s32 $0x17380;
	s19 =	simm.s32 $0x17700  }
0x5: {  	s1 =	sand.u32 $0x1, s1;
	s2 =	sshrl.u32 s8, $0x3;
	s7 =	sand.u32 $0x7, s8  }
0x6: {  	[smem:$0x7FF] =	sst s6;
	s11 =	sadd.s32 $0x6800, s0;
	s31 =	smul.u32 $0x6, s8  }
0x7: {  	s12 =	sadd.s32 $0x600, s0;
	s5 =	sshll.u32 s1, $0x1;
	s7 =	smul.u32 $0x1880, s7  }
0x8: {  	s1 =	ssub.s32 $0x2, s1;
	[dreg:$0x5] =	wrdreg s5;
	s5 =	sor.u32 s2, s5  }
0x9: {  	s30 =	sshrl.u32 s1, $0x1;
	_ =	strace $0x80000047;
	[dreg:$0xa] =	wrdreg s31  }
0xa: {  	s2 =	smul.u32 $0xC400, s2;
	s0 =	ssub.s32 s1, s30;
	[dreg:$0x6] =	wrdreg s11  }
0xb: {  	s5 =	smul.u32 $0xC400, s5;
	[dreg:$0x7] =	wrdreg s12;
	s0 =	smax.u32 s0, $0x1  }
0xc: {  	s17 =	simm.s32 $0x1;
	s14 =	sadd.s32 s7, s2;
	[dreg:$0xb] =	wrdreg s0  }
0xd: {  	s21 =	simm.s32 $0x2;
	s13 =	sadd.s32 s7, s5;
	[dreg:$0x9] =	wrdreg s14  }
0xe: {  	s22 =	simm.s32 $0x4;
	v0 =	vimm.s32 $0x0;
	s1 =	simm.s32 $0x0;
	[dreg:$0x8] =	wrdreg s13  }
.LBB2_1:
0xf: {  	[dreg:$0xc] =	wrdreg s1;
	s0 =	simm.s32 $0x0  }
.LBB2_2:
0x10: {  	s1 =	smul.u32 $0x380, s0;
	_ =	sdelay $0x1  }
0x11: {  	s2 =	sadd.s32 s1, s13  }
0x12: {  	s5 =	sshrl.u32 s2, $0x3  }
0x13: {  	s2 =	simm.s32 $0x0;
	s7 =	sadd.s32 s11, s5  }
0x14: {  	[tilespmem:s15], [sflag:$0x5] =	stream.linear.gather [hbm4b:s7+s2], $0x380, $0x38;
	[tilespmem:$0x1E700] =	vst v63  }
0x15: {  	_ =	swait.ge [sflag:s16], $0x380  }
0x16: {  	[sflag:s16] =	ssyncset.done $0x0  }
0x17: {  	s5 =	sadd.s32 s12, s5;
	[sflag:s16] =	ssyncadd.s32 $0xFFFFFC80  }
0x18: {  	[tilespmem:s18], [sflag:$0x5] =	stream.linear.gather [hbm4b:s5+s2], $0x380, $0x38;
	[tilespmem:$0x1E700] =	vst v63  }
0x19: {  	_ =	swait.ge [sflag:s16], $0x380  }
0x1a: {  	[sflag:s16] =	ssyncset.done $0x0  }
0x1b: {  	s31 =	simm.s32 $0x0;
	[sflag:s16] =	ssyncadd.s32 $0xFFFFFC80  }
0x1c: {  	v1 =	vld [tilespmem:s31+$0x17000]  }
0x1d: {  	v3 =	vld [tilespmem:s31+$0x17380];
	_ =	sdelay $0x3  }
0x1e: {  	v2 =	vtrunc.f32 v1  }
0x1f: {  	v4 =	vcvt.f32.s32 v2;
	vm0 =	vlt.f32 v1, v2;
	v2 =	vtrunc.f32 v3  }
0x20: {  	v5 =	vsel vm0, $0xFFFFFFFF, v0;
	v6 =	vcvt.f32.s32 v2;
	vm0 =	vlt.f32 v3, v2  }
0x21: {  	v4 =	vadd.s32 v4, v5;
	v2 =	vsel vm0, $0xFFFFFFFF, v0  }
0x22: {  	v5 =	vcvt.s32.f32 v4;
	vm0 =	vgt.s32 v4, $0x0;
	v6 =	vadd.s32 v6, v2  }
0x23: {  	vm1 =	vlt.u32 v4, $0xE0;
	v2 =	vnsel vm0, $0x0, v4;
	v7 =	vcvt.s32.f32 v6  }
0x24: {  	vm0 =	vgt.s32 v6, $0x0;
	vm2 =	vlt.u32 v6, $0xE0;
	v8 =	vsub.f32 v1, v5  }
0x25: {  	v1 =	vmin.u32 v2, $0xDF;
	v5 =	vnsel vm0, $0x0, v6;
	v7 =	vsub.f32 v3, v7  }
0x26: {  	v2 =	vadd.s32 $0x1, v4;
	v4 =	vadd.s32 $0x1, v6;
	v3 =	vmin.u32 v5, $0xDF  }
0x27: {  	vm3 =	vlt.u32 v2, $0xE0;
	v5 =	vsub.f32 $1.000000000e+00, v8;
	v9 =	vsub.f32 $1.000000000e+00, v7  }
0x28: {  	vm4 =	vlt.u32 v4, $0xE0;
	vm0 =	vgt.s32 v4, $0x0;
	v3 =	vshll.u32 v3, $0x8  }
0x29: {  	v6 =	vnsel vm3, $0x0, v8;
	v5 =	vnsel vm1, $0x0, v5;
	v8 =	vnsel vm2, $0x0, v9  }
0x2a: {  	s8 =	sand.u32 $0xE00, s2;
	s7 =	sand.u32 $0x70, s2;
	s5 =	simm.s32 $0x10;
	v9 =	vnsel vm4, $0x0, v7;
	v7 =	vmul.f32 v8, v5;
	v8 =	vmul.f32 v8, v6  }
.LBB2_3:
0x2b: {  	p0 =	sne.s32 s5, $0x370;
	v4 =	vnsel vm0, $0x0, v4;
	s8 =	sor.u32 s7, s8;
	v5 =	vmul.f32 v9, v5;
	v6 =	vmul.f32 v9, v6;
	s2 =	sadd.s32 $0x40, s2  }
0x2c: {  	vm0 =	vgt.s32 v2, $0x0;
	v1 =	vor.u32 v1, v3;
	s7 =	smov.u32 s5;
	s5 =	sadd.s32 $0x10, s5;
	s9 =	sadd.s32 $0x17700, s8;
	v3 =	vpack.i.f32.bf16 v8, v7  }
0x2d: {  	v2 =	vnsel vm0, $0x0, v2;
	v4 =	vmin.u32 v4, $0xDF;
	[tilespmem:s9+$0x100] =	vst v3;
	v3 =	vpack.i.f32.bf16 v6, v5  }
0x2e: {  	v2 =	vmin.u32 v2, $0xDF;
	v4 =	vshll.u32 v4, $0x8;
	[tilespmem:s9+$0x180] =	vst v3  }
0x2f: {  	s10 =	sshra.s32 s2, $0x2;
	[tilespmem:s8+$0x17700] =	vst v1;
	v1 =	vor.u32 v2, v4  }
0x30: {  	[tilespmem:s9+$0x80] =	vst v1  }
0x31: {  	v1 =	vld [tilespmem:s10+$0x17000]  }
0x32: {  	v3 =	vld [tilespmem:s10+$0x17380];
	_ =	sdelay $0x3  }
0x33: {  	v2 =	vtrunc.f32 v1  }
0x34: {  	v4 =	vcvt.f32.s32 v2;
	vm0 =	vlt.f32 v1, v2;
	v2 =	vtrunc.f32 v3  }
0x35: {  	v5 =	vsel vm0, $0xFFFFFFFF, v0;
	v6 =	vcvt.f32.s32 v2;
	vm0 =	vlt.f32 v3, v2  }
0x36: {  	v4 =	vadd.s32 v4, v5;
	v2 =	vsel vm0, $0xFFFFFFFF, v0  }
0x37: {  	v5 =	vcvt.s32.f32 v4;
	vm0 =	vgt.s32 v4, $0x0;
	v6 =	vadd.s32 v6, v2  }
0x38: {  	v2 =	vnsel vm0, $0x0, v4;
	v7 =	vcvt.s32.f32 v6;
	vm0 =	vgt.s32 v6, $0x0  }
0x39: {  	v8 =	vsub.f32 v1, v5;
	v1 =	vmin.u32 v2, $0xDF;
	v5 =	vnsel vm0, $0x0, v6  }
0x3a: {  	v2 =	vadd.s32 $0x1, v4;
	v7 =	vsub.f32 v3, v7;
	v3 =	vmin.u32 v5, $0xDF  }
.Ltmp0:
0x3b: {  	vm1 =	vlt.u32 v4, $0xE0;
	v5 =	vsub.f32 $1.000000000e+00, v8;
	v3 =	vshll.u32 v3, $0x8;
	(pc) =	sbr.rel @p0 .LBB2_3-.Ltmp0, $4  }
0x3c: {  	vm2 =	vlt.u32 v6, $0xE0;
	v4 =	vadd.s32 $0x1, v6;
	v9 =	vsub.f32 $1.000000000e+00, v7  }
0x3d: {  	vm3 =	vlt.u32 v2, $0xE0;
	vm4 =	vlt.u32 v4, $0xE0;
	vm0 =	vgt.s32 v4, $0x0  }
0x3e: {  	v6 =	vnsel vm3, $0x0, v8;
	v5 =	vnsel vm1, $0x0, v5;
	v8 =	vnsel vm2, $0x0, v9  }
0x3f: {  	s7 =	sand.u32 $0x70, s7;
	s8 =	sand.u32 $0xE00, s2;
	v9 =	vnsel vm4, $0x0, v7;
	v7 =	vmul.f32 v8, v5;
	v8 =	vmul.f32 v8, v6  }
0x40: {  	v5 =	vmul.f32 v9, v5;
	v6 =	vmul.f32 v9, v6  }
0x41: {  	s2 =	sor.u32 s7, s8;
	v4 =	vnsel vm0, $0x0, v4;
	vm15 =	vgt.s32 v2, $0x0;
	v1 =	vor.u32 v1, v3  }
0x42: {  	s1 =	sadd.s32 s1, s14;
	s5 =	sadd.s32 $0x17700, s2;
	v7 =	vpack.i.f32.bf16 v8, v7;
	v2 =	vnsel vm15, $0x0, v2;
	v4 =	vmin.u32 v4, $0xDF;
	[tilespmem:s2+$0x17700] =	vst v1  }
0x43: {  	s0 =	sadd.s32 $0x1, s0;
	s1 =	sshll.u32 s1, $0x2;
	[tilespmem:s5+$0x100] =	vst v7;
	v5 =	vpack.i.f32.bf16 v6, v5;
	v2 =	vmin.u32 v2, $0xDF;
	v3 =	vshll.u32 v4, $0x8  }
0x44: {  	p0 =	sne.s32 s0, $0x7;
	s1 =	sand.u32 $0x3FFFFFFC, s1;
	[tilespmem:s5+$0x180] =	vst v5;
	v1 =	vor.u32 v2, v3  }
.Ltmp1:
0x45: {  	s1 =	sadd.s32 s1, s4;
	[tilespmem:s5+$0x80] =	vst v1;
	(pc) =	sbr.rel @p0 .LBB2_2-.Ltmp1, $4  }
0x46: {  	[spmem:s1] =	stream.linear.scatter [tilespmem:s19], [sflag:$0x5], $0xE00, $0x38;
	[tilespmem:$0x1E700] =	vst v63  }
0x47: {  	_ =	swait.ge [sflag:s16], $0xE00  }
0x48: {  	[sflag:s16] =	ssyncset.done $0x0  }
0x49: {  	[sflag:s16] =	ssyncadd.s32 $0xFFFFF200  }
0x4a: {  	[bflag:$0x0] =	sbarrier.arrive $0xFFFF;
	s5 =	simm.s32 $0x0  }
.LBB2_6:
0x4b: {  	p0 =	sgt.u32 s5, $0x5;
	s0 =	simm.s32 $0x1  }
0x4c: {  	s2 =	rddreg [dreg:$0x5];
	s0 =	simm.s32 @!p0 $0x0  }
0x4d: {  	s1 =	sadd.s32 $0xFFFFFFFA, s5;
	s0 =	sor.u32 s0, s2  }
0x4e: {  	s20 =	rddreg [dreg:$0xa];
	s1 =	smin.u32 s5, s1;
	s0 =	smul.u32 $0x60, s0  }
0x4f: {  	[dreg:$0xd] =	wrdreg s5;
	s1 =	sadd.s32 s20, s1;
	s2 =	simm.s32 $0x31000  }
0x50: {  	s25 =	simm.s32 $0xE000;
	s2 =	simm.s32 @!p0 $0x0;
	s0 =	sadd.s32 s0, s1  }
0x51: {  	s26 =	rddreg [dreg:$0x0];
	s23 =	sadd.s32 s2, s4;
	s24 =	smul.u32 $0x1C00, s0  }
0x52: {  	[tilespmem:s25], [sflag:$0x1] =	stream.linear.gather [spmem:s23], $0x3800, $0x38;
	[tilespmem:$0x1E700] =	vst v63  }
0x53: {  	s28 =	simm.s32 $0x0;
	s29 =	simm.s32 $0xC400;
	s1 =	sadd.s32 s26, s24  }
0x54: {  	[tilespmem:s28], [sflag:$0x5] =	stream.linear.gather [hbm4b:s1+s28], $0xE000, $0x38;
	[tilespmem:$0x1E700] =	vst v63  }
0x55: {  	s29 =	simm.s32 @!p0 $0x0;
	_ =	swait.ge [sflag:s16], $0xE000  }
0x56: {  	s31 =	sadd.s32 $0x1C00, s29;
	[sflag:s16] =	ssyncset.done $0x0  }
0x57: {  	s2 =	simm.s32 $0x0;
	s30 =	smul.u32 $0xE000, s0;
	[sflag:s16] =	ssyncadd.s32 $0xFFFF2000  }
.LBB2_7:
0x58: {  	s0 =	sshllo.u32 s2, $0x1  }
0x59: {  	s1 =	smul.u32 $0xE00, s0;
	_ =	sdelay $0x1  }
0x5a: {  	s1 =	sadd.s32 s29, s1  }
0x5b: {  	s1 =	sshll.u32 s1, $0x2  }
0x5c: {  	s1 =	sand.u32 $0x3FFFFFFC, s1  }
0x5d: {  	s5 =	simm.s32 $0x11800;
	s1 =	sadd.s32 s1, s4  }
0x5e: {  	[tilespmem:s5], [sflag:$0x2] =	stream.linear.gather [spmem:s1], $0x3800, $0x38;
	[tilespmem:$0x1E700] =	vst v63  }
0x5f: {  	_ =	swait.ge [sflag:s17], $0x3800  }
0x60: {  	p0 =	seq.s32 s2, $0x0;
	[sflag:s17] =	ssyncset.done $0x0  }
0x61: {  	s1 =	simm.s32 @!p0 $0x3;
	[sflag:s17] =	ssyncadd.s32 $0xFFFFC800  }
0x62: {  	s12 =	simm.s32 $0x0;
	_ =	swait.ge @!p0 [sflag:s1], $0x1000  }
0x63: {  	s25 =	simm.s32 $0x0;
	s13 =	simm.s32 $0x0;
	[sflag:s1] =	ssyncset.done @!p0 $0x0  }
0x64: {  	s15 =	simm.s32 $0x0;
	[sflag:s1] =	ssyncadd.s32 @!p0 $0xFFFFF000;
	s1 =	simm.s32 $0x0  }
.LBB2_8:
0x65: {  	s5 =	sadd.s32 $0x10, s1  }
0x66: {  	s7 =	sadd.s32 $0xFFFFFFF0, s5  }
0x67: {  	s8 =	sand.u32 $0x7E00, s13;
	s7 =	sand.u32 $0x60, s7  }
0x68: {  	s7 =	sor.u32 s7, s8  }
0x69: {  	s14 =	sadd.s32 $0x40, s13;
	v1 =	vld [tilespmem:s7+$0xE080]  }
0x6a: {  	s5 =	sand.u32 $0x70, s5;
	s8 =	sand.u32 $0x7E00, s14;
	v2 =	vld [tilespmem:s7+$0xE000]  }
0x6b: {  	s5 =	sor.u32 s5, s8  }
0x6c: {  	v5 =	vld [tilespmem:s5+$0xE000]  }
0x6d: {  	v10 =	vld [tilespmem:s5+$0xE080];
	_ =	sdelay $0x1  }
0x6e: {  	s23 =	sadd.s32 $0x80, s13;
	v3 =	vshrl.u32 v2, $0x1;
	v4 =	vand.u32 $0xFFFFF800, v1;
	v6 =	vand.u32 $0x7F, v2  }
0x6f: {  	s9 =	sadd.s32 $0x30, s1;
	s28 =	sadd.s32 $0x40, s23;
	v11 =	vld [tilespmem:s5+$0xE100];
	v7 =	vand.u32 $0xFFFFF800, v2;
	v2 =	vshll.u32 v2, $0x3;
	v9 =	vshll.u32 v1, $0x3  }
0x70: {  	s20 =	sadd.s32 $0xFFFFFFF0, s9;
	s9 =	sand.u32 $0x70, s9;
	v16 =	vld [tilespmem:s5+$0xE180];
	s5 =	sand.u32 $0x7E00, s28;
	v3 =	vand.u32 $0x380, v3;
	v2 =	vand.u32 $0x400, v2;
	v9 =	vand.u32 $0x400, v9  }
0x71: {  	s9 =	sor.u32 s9, s5;
	v12 =	vand.u32 $0xFFFFF800, v5;
	v13 =	vshll.u32 v10, $0x3;
	v3 =	vor.u32 v7, v3  }
0x72: {  	v20 =	vld [tilespmem:s9+$0xE080];
	v7 =	vand.u32 $0x7F, v1;
	v1 =	vshrl.u32 v1, $0x1;
	v8 =	vor.u32 v6, v3  }
0x73: {  	v3 =	vor.u32 v7, v3;
	v8 =	vor.u32 v2, v8;
	v2 =	vor.u32 v6, v2  }
0x74: {  	v1 =	vand.u32 $0x380, v1;
	v3 =	vor.u32 v9, v3;
	v2 =	vor.u32 v4, v2  }
0x75: {  	v17 =	vunpack.i.u.bf16.f32 v11;
	v2 =	vor.u32 v1, v2;
	v1 =	vor.u32 v4, v1  }
0x76: {  	s16 =	sand.u32 $0x3, s25;
	v13 =	vand.u32 $0x400, v13;
	v6 =	vshrl.u32 v5, $0x1;
	v1 =	vor.u32 v7, v1  }
0x77: {  	s8 =	sshll.u32 s16, $0x5;
	v24 =	vshll.u32 v20, $0x3;
	v4 =	vand.u32 $0x380, v6;
	v6 =	vld [tilespmem:s7+$0xE100];
	v9 =	vor.u32 v9, v1  }
0x78: {  	s18 =	sadd.s32 s8, s13;
	v23 =	vand.u32 $0x7F, v20;
	v24 =	vand.u32 $0x400, v24;
	v7 =	vand.u32 $0x7F, v5;
	v8 =	vld.idx.msk [tilespmem:v8+s6+$0x0], $0xffff  }
0x79: {  	s19 =	sshll.u32 s15, $0x7;
	s7 =	sor.u32 $0x180, s18;
	v4 =	vor.u32 v12, v4;
	v12 =	vand.u32 $0x7F, v10;
	v1 =	vshll.u32 v5, $0x3;
	v3 =	vld.idx.msk [tilespmem:v3+s6+$0x0], $0xffff  }
0x7a: {  	s8 =	sand.u32 $0x380, s19;
	v14 =	vld [tilespmem:s7+$0xE000];
	v5 =	vor.u32 v7, v4;
	v4 =	vor.u32 v12, v4;
	v15 =	vand.u32 $0x400, v1  }
0x7b: {  	s26 =	sand.u32 $0x7E00, s23;
	s24 =	sand.u32 $0x60, s20;
	v1 =	vmov s8;
	v4 =	vor.u32 v13, v4;
	v5 =	vor.u32 v15, v5;
	v2 =	vld.idx.msk [tilespmem:v2+s6+$0x0], $0xffff  }
0x7c: {  	s8 =	sor.u32 s24, s26;
	v7 =	vor.u32 v7, v15;
	v18 =	vunpack.i.u.bf16.f32 v6;
	v6 =	vunpack.i.l.bf16.f32 v6;
	v9 =	vld.idx.msk [tilespmem:v9+s6+$0x0], $0xffff  }
0x7d: {  	v15 =	vand.u32 $0xFFFFF800, v10;
	v10 =	vshrl.u32 v10, $0x1;
	v6 =	vmul.f32 v6, v8;
	v8 =	vld [tilespmem:s8+$0xE000]  }
0x7e: {  	v10 =	vand.u32 $0x380, v10;
	v7 =	vor.u32 v15, v7;
	v3 =	vmul.f32 v18, v3;
	v18 =	vld [tilespmem:s8+$0xE080]  }
0x7f: {  	v15 =	vor.u32 v15, v10;
	v19 =	vunpack.i.l.bf16.f32 v14;
	v7 =	vor.u32 v10, v7  }
0x80: {  	v12 =	vor.u32 v12, v15;
	v3 =	vadd.f32 v6, v3;
	v2 =	vmul.f32 v19, v2  }
0x81: {  	v10 =	vor.u32 v13, v12;
	v4 =	vld.idx.msk [tilespmem:v4+s6+$0x0], $0xffff;
	v6 =	vunpack.i.l.bf16.f32 v11;
	v11 =	vunpack.i.u.bf16.f32 v14  }
0x82: {  	v12 =	vunpack.i.l.bf16.f32 v16;
	v2 =	vadd.f32 v2, v3;
	v3 =	vmul.f32 v11, v9  }
0x83: {  	v9 =	vunpack.i.u.bf16.f32 v16;
	v11 =	vshrl.u32 v8, $0x1;
	v13 =	vand.u32 $0xFFFFF800, v18  }
0x84: {  	v5 =	vld.idx.msk [tilespmem:v5+s6+$0x0], $0xffff;
	v14 =	vand.u32 $0xFFFFF800, v8;
	v15 =	vand.u32 $0x7F, v8;
	v8 =	vshll.u32 v8, $0x3  }
0x85: {  	v16 =	vld [tilespmem:s9+$0xE000];
	v19 =	vshll.u32 v18, $0x3;
	v21 =	vand.u32 $0x7F, v18;
	v11 =	vand.u32 $0x380, v11  }
0x86: {  	v18 =	vshrl.u32 v18, $0x1;
	v4 =	vmul.f32 v17, v4;
	v11 =	vor.u32 v14, v11  }
0x87: {  	v8 =	vand.u32 $0x400, v8;
	v19 =	vand.u32 $0x400, v19;
	v14 =	vor.u32 v15, v11  }
0x88: {  	v18 =	vand.u32 $0x380, v18;
	v11 =	vor.u32 v21, v11;
	v14 =	vor.u32 v8, v14  }
0x89: {  	v7 =	vld.idx.msk [tilespmem:v7+s6+$0x0], $0xffff;
	v5 =	vmul.f32 v6, v5;
	v8 =	vor.u32 v15, v8;
	v11 =	vor.u32 v19, v11  }
0x8a: {  	s5 =	sadd.s32 $0x1, s25;
	v22 =	vld [tilespmem:s9+$0xE100];
	v15 =	vadd.f32 v2, v3;
	v2 =	vshrl.u32 v16, $0x1;
	v8 =	vor.u32 v13, v8  }
0x8b: {  	s10 =	sand.u32 $0x3, s5;
	v10 =	vld.idx.msk [tilespmem:v10+s6+$0x0], $0xffff;
	v2 =	vand.u32 $0x380, v2;
	v3 =	vor.u32 v18, v8;
	v8 =	vor.u32 v13, v18  }
0x8c: {  	s10 =	sshll.u32 s10, $0x5;
	v13 =	vld [tilespmem:s8+$0xE100];
	v18 =	vand.u32 $0xFFFFF800, v16;
	v8 =	vor.u32 v21, v8;
	v21 =	vand.u32 $0x7F, v16  }
0x8d: {  	s8 =	sadd.s32 s10, s23;
	v2 =	vor.u32 v18, v2;
	v16 =	vshll.u32 v16, $0x3;
	v8 =	vor.u32 v19, v8;
	v14 =	vld.idx.msk [tilespmem:v14+s6+$0x0], $0xffff  }
0x8e: {  	v7 =	vmul.f32 v12, v7;
	s8 =	sor.u32 $0x180, s8;
	v19 =	vor.u32 v21, v2;
	v16 =	vand.u32 $0x400, v16;
	v11 =	vld.idx.msk [tilespmem:v11+s6+$0x0], $0xffff  }
0x8f: {  	s11 =	sadd.s32 $0x50, s1;
	v12 =	vadd.f32 v5, v4;
	v25 =	vld [tilespmem:s8+$0xE000];
	v2 =	vor.u32 v23, v2;
	v19 =	vor.u32 v16, v19  }
0x90: {  	s14 =	sadd.s32 $0xFFFFFFF0, s11;
	s16 =	sadd.s32 $0x80, s23;
	v26 =	vld.idx.msk [tilespmem:v3+s6+$0x0], $0xffff;
	v3 =	vor.u32 v21, v16;
	v16 =	vand.u32 $0xFFFFF800, v20;
	v20 =	vshrl.u32 v20, $0x1  }
0x91: {  	s19 =	sand.u32 $0x7E00, s16;
	s18 =	sand.u32 $0x60, s14;
	v18 =	vld [tilespmem:s9+$0xE180];
	v27 =	vor.u32 v24, v2;
	v2 =	vunpack.i.l.bf16.f32 v13;
	v20 =	vand.u32 $0x380, v20  }
0x92: {  	s7 =	sor.u32 s18, s19;
	v13 =	vunpack.i.u.bf16.f32 v13;
	v21 =	vor.u32 v16, v3;
	v8 =	vld.idx.msk [tilespmem:v8+s6+$0x0], $0xffff;
	v16 =	vor.u32 v16, v20  }
0x93: {  	v14 =	vmul.f32 v2, v14;
	v11 =	vmul.f32 v13, v11;
	v13 =	vor.u32 v20, v21;
	v20 =	vld [tilespmem:s7+$0xE080]  }
0x94: {  	v3 =	vunpack.i.l.bf16.f32 v22;
	v2 =	vunpack.i.u.bf16.f32 v22;
	v21 =	vunpack.i.l.bf16.f32 v25;
	v22 =	vld [tilespmem:s7+$0xE000]  }
0x95: {  	v11 =	vadd.f32 v14, v11;
	v14 =	vmul.f32 v21, v26  }
0x96: {  	s20 =	sadd.s32 $0x40, s16;
	v5 =	vmul.f32 v9, v10;
	v7 =	vadd.f32 v7, v12;
	v6 =	vunpack.i.u.bf16.f32 v25  }
0x97: {  	s9 =	sand.u32 $0x7E00, s20;
	s8 =	sand.u32 $0x70, s11;
	v16 =	vor.u32 v23, v16;
	v11 =	vadd.f32 v14, v11;
	v8 =	vmul.f32 v6, v8  }
0x98: {  	s8 =	sor.u32 s8, s9;
	v4 =	vunpack.i.u.bf16.f32 v18;
	v16 =	vor.u32 v24, v16;
	v6 =	vunpack.i.l.bf16.f32 v18  }
0x99: {  	v21 =	vld [tilespmem:s8+$0xE000];
	v17 =	vand.u32 $0xFFFFF800, v20;
	v18 =	vadd.f32 v11, v8;
	v8 =	vshrl.u32 v22, $0x1  }
0x9a: {  	v10 =	vld.idx.msk [tilespmem:v19+s6+$0x0], $0xffff;
	v12 =	vand.u32 $0x7F, v22;
	v9 =	vand.u32 $0xFFFFF800, v22;
	v8 =	vand.u32 $0x380, v8  }
0x9b: {  	s23 =	sshll.u32 s15, $0x8;
	v14 =	vld [tilespmem:s8+$0xE080];
	v23 =	vand.u32 $0x7F, v20;
	v22 =	vshll.u32 v22, $0x3;
	v8 =	vor.u32 v9, v8  }
0x9c: {  	s28 =	simm.s32 $0x0;
	s24 =	simm.s32 $0x10;
	s9 =	sand.u32 $0x800, s23;
	v24 =	vshll.u32 v20, $0x3;
	v13 =	vld.idx.msk [tilespmem:v13+s6+$0x0], $0xffff;
	v19 =	vand.u32 $0x400, v22;
	v22 =	vor.u32 v12, v8  }
0x9d: {  	s10 =	sand.u32 $0x60, s28;
	s11 =	sand.u32 $0x400, s12;
	s26 =	sor.u32 $0x15000, s9;
	v20 =	vshrl.u32 v20, $0x1;
	v11 =	vld [tilespmem:s8+$0xE100];
	v24 =	vand.u32 $0x400, v24;
	v22 =	vor.u32 v19, v22  }
0x9e: {  	s9 =	sand.u32 $0x70, s24;
	s18 =	sadd.s32 s11, s26;
	s11 =	sadd.s32 $0x1, s5;
	v26 =	vshrl.u32 v21, $0x1;
	v9 =	vld.idx.msk [tilespmem:v27+s6+$0x0], $0xffff;
	v25 =	vor.u32 v23, v8;
	v12 =	vor.u32 v12, v19  }
0x9f: {  	s24 =	simm.s32 $0x20;
	s5 =	simm.s32 $0x100;
	s19 =	sand.u32 $0x3, s11;
	v8 =	vld [tilespmem:s8+$0xE180];
	v25 =	vor.u32 v24, v25;
	v19 =	vand.u32 $0x380, v20;
	v20 =	vor.u32 v17, v12  }
0xa0: {  	s28 =	sand.u32 $0x400, s5;
	s8 =	sadd.s32 s10, s18;
	s10 =	sshll.u32 s19, $0x5;
	v12 =	vld.idx.msk [tilespmem:v16+s6+$0x0], $0xffff;
	v27 =	vor.u32 v19, v20;
	v16 =	vor.u32 v17, v19;
	v19 =	vand.u32 $0x380, v26  }
0xa1: {  	s20 =	sand.u32 $0x60, s24;
	s28 =	sadd.s32 s28, s26;
	s23 =	sadd.s32 s10, s16;
	[tilespmem:v1+s8+$0x0 ss:$0x1] =	vst.idx.msk $0xffff, v15;
	v26 =	vand.u32 $0x7F, v21;
	v20 =	vor.u32 v23, v16;
	v16 =	vld [tilespmem:s7+$0xE100];
	v23 =	vand.u32 $0xFFFFF800, v21  }
0xa2: {  	s14 =	simm.s32 $0x30;
	s19 =	sadd.s32 s20, s28;
	s24 =	sor.u32 $0x180, s23;
	v21 =	vshll.u32 v21, $0x3;
	v19 =	vor.u32 v23, v19;
	v17 =	vld.idx.msk [tilespmem:v22+s6+$0x0], $0xffff;
	v22 =	vor.u32 v24, v20  }
0xa3: {  	s14 =	sand.u32 $0x70, s14;
	[tilespmem:v1+s19+$0x0 ss:$0x1] =	vst.idx.msk $0xffff, v18;
	v18 =	vld [tilespmem:s24+$0xE000];
	v23 =	vand.u32 $0x7F, v14;
	v15 =	vor.u32 v26, v19;
	v24 =	vshll.u32 v14, $0x3  }
0xa4: {  	s10 =	simm.s32 $0x50;
	s8 =	sadd.s32 s9, s18;
	s9 =	sadd.s32 s14, s28;
	v28 =	vor.u32 v23, v19;
	v20 =	vld.idx.msk [tilespmem:v25+s6+$0x0], $0xffff;
	v25 =	vand.u32 $0x400, v21;
	v24 =	vand.u32 $0x400, v24  }
0xa5: {  	s14 =	simm.s32 $0x70;
	s7 =	sand.u32 $0x70, s10;
	s24 =	simm.s32 $0x4;
	v21 =	vld.idx.msk [tilespmem:v27+s6+$0x0], $0xffff;
	v19 =	vor.u32 v25, v15;
	v25 =	vor.u32 v26, v25;
	v15 =	vor.u32 v24, v28  }
.LBB2_9:
0xa6: {  	s18 =	sadd.s32 s14, s1;
	s28 =	sand.u32 $0x70, s14;
	v26 =	vand.u32 $0xFFFFF800, v14;
	v14 =	vshrl.u32 v14, $0x1;
	v27 =	vunpack.i.u.bf16.f32 v11  }
0xa7: {  	v11 =	vunpack.i.l.bf16.f32 v11;
	s16 =	sadd.s32 $0x80, s16;
	s19 =	sadd.s32 $0xFFFFFFF0, s18;
	s20 =	sand.u32 $0x70, s18;
	v22 =	vld.idx.msk [tilespmem:v22+s6+$0x0], $0xffff;
	v14 =	vand.u32 $0x380, v14;
	v25 =	vor.u32 v26, v25  }
0xa8: {  	s24 =	sadd.s32 $0x2, s24;
	v28 =	vunpack.i.u.bf16.f32 v16;
	v16 =	vunpack.i.l.bf16.f32 v16;
	s18 =	sand.u32 $0x60, s19;
	s19 =	sand.u32 $0x7E00, s16;
	v25 =	vor.u32 v14, v25  }
0xa9: {  	p1 =	slt.u32 s24, $0xC;
	v16 =	vmul.f32 v16, v17;
	v17 =	vmul.f32 v28, v20;
	v14 =	vor.u32 v26, v14;
	s18 =	sor.u32 s18, s19;
	s19 =	sadd.s32 $0x40, s16  }
0xaa: {  	v10 =	vmul.f32 v3, v10;
	v3 =	vmovc v11;
	v26 =	vunpack.i.l.bf16.f32 v18;
	v14 =	vor.u32 v23, v14;
	v20 =	vld [tilespmem:s18+$0xE080];
	s19 =	sand.u32 $0x7E00, s19  }
0xab: {  	v11 =	vadd.f32 v16, v17;
	v16 =	vmul.f32 v26, v21;
	v17 =	vor.u32 v24, v14;
	v23 =	vld [tilespmem:s18+$0xE000];
	s19 =	sor.u32 s20, s19  }
0xac: {  	v9 =	vmul.f32 v2, v9;
	v2 =	vmovc v27;
	v18 =	vunpack.i.u.bf16.f32 v18;
	v24 =	vunpack.i.l.bf16.f32 v8;
	v21 =	vld [tilespmem:s19+$0xE000]  }
0xad: {  	v13 =	vmul.f32 v6, v13;
	s5 =	sadd.s32 $0x100, s5;
	v6 =	vmovc v24;
	v16 =	vadd.f32 v16, v11;
	v18 =	vmul.f32 v18, v22;
	v14 =	vld [tilespmem:s19+$0xE080]  }
0xae: {  	v12 =	vmul.f32 v4, v12;
	v4 =	vunpack.i.u.bf16.f32 v8;
	s23 =	sand.u32 $0x400, s5;
	s20 =	sadd.s32 $0xFFFFFFF0, s10;
	s10 =	smov.u32 s14;
	v22 =	vadd.f32 v10, v9;
	v11 =	vld [tilespmem:s19+$0xE100]  }
0xaf: {  	s23 =	sadd.s32 s23, s26;
	s20 =	sand.u32 $0x60, s20;
	v16 =	vadd.f32 v16, v18;
	v18 =	vadd.f32 v7, v5;
	v10 =	vld.idx.msk [tilespmem:v19+s6+$0x0], $0xffff  }
0xb0: {  	s20 =	sadd.s32 s20, s23;
	s23 =	sadd.s32 s7, s23;
	s7 =	smov.u32 s28;
	v7 =	vadd.f32 v13, v22;
	v5 =	vmovc v12;
	v19 =	vand.u32 $0xFFFFF800, v20;
	v8 =	vshrl.u32 v23, $0x1;
	v9 =	vld.idx.msk [tilespmem:v15+s6+$0x0], $0xffff  }
0xb1: {  	v15 =	vand.u32 $0x7F, v23;
	v12 =	vand.u32 $0xFFFFF800, v23;
	v13 =	vand.u32 $0x380, v8;
	v8 =	vld [tilespmem:s19+$0xE180];
	[tilespmem:v1+s20+$0x0 ss:$0x1] =	vst.idx.msk $0xffff, v16  }
0xb2: {  	v16 =	vshll.u32 v23, $0x3;
	v23 =	vand.u32 $0x7F, v20;
	v22 =	vor.u32 v12, v13;
	v13 =	vld.idx.msk [tilespmem:v25+s6+$0x0], $0xffff;
	[tilespmem:v1+s8+$0x0 ss:$0x1] =	vst.idx.msk $0xffff, v18;
	s8 =	smov.u32 s9;
	s9 =	smov.u32 s23  }
0xb3: {  	v24 =	vshll.u32 v20, $0x3;
	v16 =	vand.u32 $0x400, v16;
	v18 =	vor.u32 v15, v22;
	v12 =	vld.idx.msk [tilespmem:v17+s6+$0x0], $0xffff  }
0xb4: {  	v22 =	vor.u32 v23, v22;
	v17 =	vor.u32 v16, v18;
	v18 =	vand.u32 $0x400, v24  }
0xb5: {  	v20 =	vshrl.u32 v20, $0x1;
	v15 =	vor.u32 v15, v16;
	v24 =	vor.u32 v18, v22  }
0xb6: {  	s11 =	sadd.s32 $0x1, s11;
	v16 =	vand.u32 $0x380, v20;
	v15 =	vor.u32 v19, v15;
	v20 =	vshrl.u32 v21, $0x1  }
0xb7: {  	s19 =	sand.u32 $0x3, s11;
	v15 =	vor.u32 v16, v15;
	v16 =	vor.u32 v19, v16;
	v19 =	vand.u32 $0x380, v20  }
.Ltmp2:
0xb8: {  	s19 =	sshll.u32 s19, $0x5;
	v25 =	vand.u32 $0x7F, v21;
	v20 =	vor.u32 v23, v16;
	v23 =	vand.u32 $0xFFFFF800, v21;
	v16 =	vld [tilespmem:s18+$0xE100];
	(pc) =	sbr.rel @p1 .LBB2_9-.Ltmp2, $4  }
0xb9: {  	v21 =	vshll.u32 v21, $0x3;
	v22 =	vor.u32 v18, v20;
	v19 =	vor.u32 v23, v19;
	s18 =	sadd.s32 s19, s16;
	v17 =	vld.idx.msk [tilespmem:v17+s6+$0x0], $0xffff  }
0xba: {  	v23 =	vand.u32 $0x7F, v14;
	v26 =	vor.u32 v25, v19;
	s18 =	sor.u32 $0x180, s18;
	v20 =	vld.idx.msk [tilespmem:v24+s6+$0x0], $0xffff;
	v24 =	vshll.u32 v14, $0x3  }
0xbb: {  	v27 =	vand.u32 $0x400, v21;
	v28 =	vor.u32 v23, v19;
	v18 =	vld [tilespmem:s18+$0xE000];
	v24 =	vand.u32 $0x400, v24  }
0xbc: {  	s14 =	sadd.s32 $0x20, s14;
	v25 =	vor.u32 v25, v27;
	v19 =	vor.u32 v27, v26;
	v21 =	vld.idx.msk [tilespmem:v15+s6+$0x0], $0xffff;
	v15 =	vor.u32 v24, v28  }
0xbd: {  	v26 =	vand.u32 $0xFFFFF800, v14;
	v47 =	vshrl.u32 v14, $0x1  }
0xbe: {  	v14 =	vand.u32 $0x380, v47;
	v25 =	vor.u32 v26, v25  }
0xbf: {  	v25 =	vor.u32 v14, v25;
	v14 =	vor.u32 v26, v14  }
0xc0: {  	v14 =	vor.u32 v23, v14  }
0xc1: {  	v19 =	vld.idx.msk [tilespmem:v19+s6+$0x0], $0xffff;
	v14 =	vor.u32 v24, v14  }
0xc2: {  	v48 =	vunpack.i.u.bf16.f32 v16;
	v15 =	vld.idx.msk [tilespmem:v15+s6+$0x0], $0xffff  }
0xc3: {  	v49 =	vunpack.i.l.bf16.f32 v16;
	v51 =	vunpack.i.u.bf16.f32 v11;
	v52 =	vunpack.i.l.bf16.f32 v11  }
0xc4: {  	v3 =	vmul.f32 v3, v10;
	v58 =	vunpack.i.l.bf16.f32 v8;
	v2 =	vmul.f32 v2, v9;
	v54 =	vld.idx.msk [tilespmem:v25+s6+$0x0], $0xffff  }
0xc5: {  	v22 =	vld.idx.msk [tilespmem:v22+s6+$0x0], $0xffff;
	v6 =	vmul.f32 v6, v13;
	v4 =	vmul.f32 v4, v12;
	v5 =	vadd.f32 v7, v5  }
0xc6: {  	v16 =	vmul.f32 v49, v17;
	v50 =	vmul.f32 v48, v20;
	v2 =	vadd.f32 v3, v2;
	v59 =	vld.idx.msk [tilespmem:v14+s6+$0x0], $0xffff  }
0xc7: {  	v53 =	vunpack.i.l.bf16.f32 v18;
	v11 =	vmul.f32 v52, v19;
	v60 =	vmul.f32 v51, v15  }
0xc8: {  	v57 =	vunpack.i.u.bf16.f32 v18;
	v55 =	vadd.f32 v16, v50;
	v56 =	vmul.f32 v53, v21  }
0xc9: {  	s15 =	sadd.s32 $0x1, s15;
	v2 =	vadd.f32 v6, v2;
	v11 =	vadd.f32 v11, v60;
	v62 =	vmul.f32 v58, v54  }
0xca: {  	s5 =	sadd.s32 $0x100, s5;
	p1 =	sne.s32 s15, $0x10;
	v3 =	vunpack.i.u.bf16.f32 v8;
	v61 =	vmul.f32 v57, v22;
	v10 =	vadd.f32 v56, v55  }
.Ltmp3:
0xcb: {  	s10 =	sadd.s32 $0xFFFFFFF0, s10;
	s5 =	sand.u32 $0x400, s5;
	v2 =	vadd.f32 v2, v4;
	v3 =	vmul.f32 v3, v59;
	v63 =	vadd.f32 v62, v11;
	(pc) =	sbr.rel @p1 .LBB2_8-.Ltmp3, $4  }
0xcc: {  	s10 =	sand.u32 $0x60, s10;
	s5 =	sadd.s32 s5, s26;
	[tilespmem:v1+s8+$0x0 ss:$0x1] =	vst.idx.msk $0xffff, v5;
	v10 =	vadd.f32 v10, v61  }
0xcd: {  	s10 =	sadd.s32 s10, s5;
	[tilespmem:v1+s9+$0x0 ss:$0x1] =	vst.idx.msk $0xffff, v2;
	v3 =	vadd.f32 v63, v3  }
0xce: {  	s5 =	sadd.s32 s7, s5;
	[tilespmem:v1+s10+$0x0 ss:$0x1] =	vst.idx.msk $0xffff, v10  }
0xcf: {  	s13 =	sadd.s32 $0x380, s13;
	s1 =	sadd.s32 $0xE0, s1;
	s25 =	sadd.s32 $0x3, s25;
	[tilespmem:v1+s5+$0x0 ss:$0x1] =	vst.idx.msk $0xffff, v3  }
0xd0: {  	p1 =	sne.s32 s2, $0x6  }
.Ltmp4:
0xd1: {  	s1 =	sshll.u32 s2, $0xD;
	(pc) =	sbr.rel @p1 .LBB2_13-.Ltmp4, $4  }
0xd2: {  	s1 =	sadd.s32 s30, s1  }
0xd3: {  	s1 =	sshrl.u32 s1, $0x3  }
0xd4: {  	s5 =	simm.s32 $0x15000;
	s1 =	sadd.s32 s3, s1  }
0xd5: {  	[hbm4b:s1+s6] =	stream.linear.scatter [tilespmem:s5], [sflag:$0x3], $0x1000, $0x38;
	[tilespmem:$0x1E700] =	vst v63  }
.Ltmp5:
0xd6: {  	(pc) =	sbr.rel .LBB2_14-.Ltmp5, $4  }
0xd7: {  	_ = 	snop  }
0xd8: {  	_ =	swait.ge [sflag:s21], $0x3800  }
0xd9: {  	[sflag:s21] =	ssyncset.done $0x0  }
0xda: {  	[sflag:s21] =	ssyncadd.s32 $0xFFFFC800  }
.LBB2_13:
0xdb: {  	s1 =	smul.u32 $0x1C00, s2;
	_ =	sdelay $0x1  }
0xdc: {  	s1 =	sadd.s32 s1, s31  }
0xdd: {  	s1 =	sshll.u32 s1, $0x2  }
0xde: {  	s1 =	sand.u32 $0x3FFFFFFC, s1  }
.Ltmp6:
0xdf: {  	s5 =	simm.s32 $0xE000;
	s1 =	sadd.s32 s1, s4;
	(pc) =	sbr.rel @p0 .LBB2_15-.Ltmp6, $4  }
0xe0: {  	[tilespmem:s5], [sflag:$0x1] =	stream.linear.gather [spmem:s1], $0x3800, $0x38;
	[tilespmem:$0x1E700] =	vst v63  }
0xe1: {  	_ =	swait.ge [sflag:s21], $0x3800  }
0xe2: {  	[sflag:s21] =	ssyncset.done $0x0  }
0xe3: {  	[sflag:s21] =	ssyncadd.s32 $0xFFFFC800  }
.LBB2_14:
0xe4: {  	_ =	swait.ge [sflag:s22], $0x1000  }
0xe5: {  	[sflag:s22] =	ssyncset.done $0x0  }
0xe6: {  	[sflag:s22] =	ssyncadd.s32 $0xFFFFF000  }
.LBB2_15:
0xe7: {  	s1 =	simm.s32 $0x40  }
0xe8: {  	s12 =	simm.s32 $0x0;
	s13 =	simm.s32 $0x0;
	s15 =	simm.s32 $0x0  }
.LBB2_16:
0xe9: {  	s5 =	sadd.s32 $0x10, s13  }
0xea: {  	s8 =	sadd.s32 $0xFFFFFFC0, s1;
	s7 =	sadd.s32 $0xFFFFFFF0, s5  }
0xeb: {  	s8 =	sand.u32 $0x7E00, s8;
	s7 =	sand.u32 $0x60, s7  }
0xec: {  	s7 =	sor.u32 s7, s8  }
0xed: {  	s16 =	sand.u32 $0x7E00, s1;
	s5 =	sand.u32 $0x70, s5;
	v1 =	vld [tilespmem:s7+$0x11880]  }
0xee: {  	s8 =	sor.u32 s5, s16;
	v2 =	vld [tilespmem:s7+$0x11800]  }
0xef: {  	v5 =	vld [tilespmem:s8+$0x11800]  }
0xf0: {  	v10 =	vld [tilespmem:s8+$0x11880];
	_ =	sdelay $0x2  }
0xf1: {  	v3 =	vshrl.u32 v2, $0x1;
	v4 =	vand.u32 $0xFFFFF800, v1;
	v6 =	vand.u32 $0x7F, v2  }
0xf2: {  	v7 =	vand.u32 $0xFFFFF800, v2;
	v2 =	vshll.u32 v2, $0x3;
	v9 =	vshll.u32 v1, $0x3  }
0xf3: {  	s10 =	sadd.s32 $0x30, s13;
	s19 =	sadd.s32 $0x80, s1;
	v11 =	vld [tilespmem:s8+$0x11900];
	v12 =	vand.u32 $0xFFFFF800, v5;
	v13 =	vshll.u32 v10, $0x3;
	v3 =	vand.u32 $0x380, v3  }
0xf4: {  	s25 =	sand.u32 $0x70, s10;
	s26 =	sand.u32 $0x7E00, s19;
	v14 =	vld [tilespmem:s7+$0x11980];
	v2 =	vand.u32 $0x400, v2;
	v9 =	vand.u32 $0x400, v9;
	v3 =	vor.u32 v7, v3  }
0xf5: {  	v16 =	vld [tilespmem:s8+$0x11980];
	s8 =	sor.u32 s25, s26;
	v7 =	vand.u32 $0x7F, v1;
	v1 =	vshrl.u32 v1, $0x1;
	v8 =	vor.u32 v6, v3  }
0xf6: {  	v20 =	vld [tilespmem:s8+$0x11880];
	v3 =	vor.u32 v7, v3;
	v8 =	vor.u32 v2, v8;
	v2 =	vor.u32 v6, v2  }
0xf7: {  	v1 =	vand.u32 $0x380, v1;
	v3 =	vor.u32 v9, v3;
	v2 =	vor.u32 v4, v2  }
0xf8: {  	v17 =	vunpack.i.u.bf16.f32 v11;
	v2 =	vor.u32 v1, v2;
	v1 =	vor.u32 v4, v1  }
0xf9: {  	v19 =	vunpack.i.l.bf16.f32 v14;
	v6 =	vshrl.u32 v5, $0x1;
	v1 =	vor.u32 v7, v1  }
0xfa: {  	v13 =	vand.u32 $0x400, v13;
	v4 =	vand.u32 $0x380, v6;
	v6 =	vld [tilespmem:s7+$0x11900];
	v9 =	vor.u32 v9, v1  }
0xfb: {  	v23 =	vand.u32 $0x7F, v20;
	v24 =	vshll.u32 v20, $0x3;
	v7 =	vand.u32 $0x7F, v5;
	v8 =	vld.idx.msk [tilespmem:v8+s6+$0x0], $0xffff  }
0xfc: {  	v4 =	vor.u32 v12, v4;
	v12 =	vand.u32 $0x7F, v10;
	v1 =	vshll.u32 v5, $0x3;
	v3 =	vld.idx.msk [tilespmem:v3+s6+$0x0], $0xffff  }
0xfd: {  	s20 =	sadd.s32 $0xFFFFFFF0, s10;
	s23 =	sadd.s32 $0xFFFFFFC0, s19;
	v5 =	vor.u32 v7, v4;
	v4 =	vor.u32 v12, v4;
	v15 =	vand.u32 $0x400, v1  }
0xfe: {  	s24 =	sand.u32 $0x7E00, s23;
	v24 =	vand.u32 $0x400, v24;
	s7 =	sand.u32 $0x60, s20;
	v4 =	vor.u32 v13, v4;
	v5 =	vor.u32 v15, v5;
	v2 =	vld.idx.msk [tilespmem:v2+s6+$0x0], $0xffff  }
0xff: {  	s7 =	sor.u32 s7, s24;
	v7 =	vor.u32 v7, v15;
	v18 =	vunpack.i.u.bf16.f32 v6;
	v6 =	vunpack.i.l.bf16.f32 v6;
	v9 =	vld.idx.msk [tilespmem:v9+s6+$0x0], $0xffff  }
0x100: {  	s18 =	sshll.u32 s15, $0x7;
	v15 =	vand.u32 $0xFFFFF800, v10;
	v10 =	vshrl.u32 v10, $0x1;
	v6 =	vmul.f32 v6, v8;
	v8 =	vld [tilespmem:s7+$0x11800]  }
0x101: {  	s9 =	sand.u32 $0x380, s18;
	v10 =	vand.u32 $0x380, v10;
	v7 =	vor.u32 v15, v7;
	v3 =	vmul.f32 v18, v3;
	v18 =	vld [tilespmem:s7+$0x11880]  }
0x102: {  	v1 =	vmov s9;
	v15 =	vor.u32 v15, v10;
	v7 =	vor.u32 v10, v7  }
0x103: {  	v12 =	vor.u32 v12, v15;
	v3 =	vadd.f32 v6, v3;
	v2 =	vmul.f32 v19, v2  }
0x104: {  	v10 =	vor.u32 v13, v12;
	v4 =	vld.idx.msk [tilespmem:v4+s6+$0x0], $0xffff;
	v6 =	vunpack.i.l.bf16.f32 v11;
	v11 =	vunpack.i.u.bf16.f32 v14  }
0x105: {  	v12 =	vunpack.i.l.bf16.f32 v16;
	v2 =	vadd.f32 v2, v3;
	v3 =	vmul.f32 v11, v9  }
0x106: {  	v5 =	vld.idx.msk [tilespmem:v5+s6+$0x0], $0xffff;
	v9 =	vunpack.i.u.bf16.f32 v16;
	v11 =	vshrl.u32 v8, $0x1;
	v13 =	vand.u32 $0xFFFFF800, v18  }
0x107: {  	v14 =	vand.u32 $0xFFFFF800, v8;
	v16 =	vand.u32 $0x7F, v8;
	v8 =	vshll.u32 v8, $0x3  }
0x108: {  	v15 =	vld [tilespmem:s8+$0x11800];
	v19 =	vshll.u32 v18, $0x3;
	v21 =	vand.u32 $0x7F, v18;
	v11 =	vand.u32 $0x380, v11  }
0x109: {  	v18 =	vshrl.u32 v18, $0x1;
	v4 =	vmul.f32 v17, v4;
	v11 =	vor.u32 v14, v11  }
0x10a: {  	v8 =	vand.u32 $0x400, v8;
	v19 =	vand.u32 $0x400, v19;
	v14 =	vor.u32 v16, v11  }
0x10b: {  	v5 =	vmul.f32 v6, v5;
	v11 =	vor.u32 v21, v11;
	v14 =	vor.u32 v8, v14  }
0x10c: {  	v7 =	vld.idx.msk [tilespmem:v7+s6+$0x0], $0xffff;
	v8 =	vor.u32 v16, v8;
	v11 =	vor.u32 v19, v11;
	v16 =	vand.u32 $0x380, v18  }
0x10d: {  	v22 =	vld [tilespmem:s8+$0x11900];
	v18 =	vadd.f32 v2, v3;
	v2 =	vshrl.u32 v15, $0x1;
	v8 =	vor.u32 v13, v8  }
0x10e: {  	v25 =	vld [tilespmem:s7+$0x11980];
	v2 =	vand.u32 $0x380, v2;
	v3 =	vor.u32 v16, v8;
	v8 =	vor.u32 v13, v16  }
0x10f: {  	v13 =	vld [tilespmem:s7+$0x11900];
	v16 =	vand.u32 $0xFFFFF800, v15;
	v8 =	vor.u32 v21, v8;
	v21 =	vand.u32 $0x7F, v15  }
0x110: {  	v2 =	vor.u32 v16, v2;
	v15 =	vshll.u32 v15, $0x3;
	v8 =	vor.u32 v19, v8;
	v14 =	vld.idx.msk [tilespmem:v14+s6+$0x0], $0xffff  }
0x111: {  	v7 =	vmul.f32 v12, v7;
	v19 =	vor.u32 v21, v2;
	v15 =	vand.u32 $0x400, v15;
	v11 =	vld.idx.msk [tilespmem:v11+s6+$0x0], $0xffff  }
0x112: {  	s28 =	sadd.s32 $0x50, s13;
	s16 =	sadd.s32 $0x80, s19;
	v10 =	vld.idx.msk [tilespmem:v10+s6+$0x0], $0xffff;
	v12 =	vadd.f32 v5, v4;
	v2 =	vor.u32 v23, v2;
	v19 =	vor.u32 v15, v19  }
0x113: {  	s10 =	sadd.s32 $0xFFFFFFF0, s28;
	s11 =	sadd.s32 $0xFFFFFFC0, s16;
	v26 =	vld.idx.msk [tilespmem:v3+s6+$0x0], $0xffff;
	v3 =	vor.u32 v21, v15;
	v15 =	vand.u32 $0xFFFFF800, v20;
	v20 =	vshrl.u32 v20, $0x1  }
0x114: {  	s5 =	sand.u32 $0x60, s10;
	v16 =	vld [tilespmem:s8+$0x11980];
	s8 =	sand.u32 $0x7E00, s11;
	v27 =	vor.u32 v24, v2;
	v2 =	vunpack.i.l.bf16.f32 v13;
	v20 =	vand.u32 $0x380, v20  }
0x115: {  	s9 =	sor.u32 s5, s8;
	v13 =	vunpack.i.u.bf16.f32 v13;
	v21 =	vor.u32 v15, v3;
	v8 =	vld.idx.msk [tilespmem:v8+s6+$0x0], $0xffff;
	v15 =	vor.u32 v15, v20  }
0x116: {  	v14 =	vmul.f32 v2, v14;
	v11 =	vmul.f32 v13, v11;
	v13 =	vor.u32 v20, v21;
	v20 =	vld [tilespmem:s9+$0x11880]  }
0x117: {  	s19 =	sshll.u32 s15, $0x8;
	v3 =	vunpack.i.l.bf16.f32 v22;
	v2 =	vunpack.i.u.bf16.f32 v22;
	v21 =	vunpack.i.l.bf16.f32 v25;
	v22 =	vld [tilespmem:s9+$0x11800]  }
0x118: {  	s7 =	sand.u32 $0x800, s19;
	v11 =	vadd.f32 v14, v11;
	v14 =	vmul.f32 v21, v26  }
0x119: {  	s26 =	sand.u32 $0x400, s12;
	s24 =	simm.s32 $0x0;
	v6 =	vunpack.i.u.bf16.f32 v25;
	v5 =	vmul.f32 v9, v10;
	v7 =	vadd.f32 v7, v12;
	s25 =	sor.u32 $0x16000, s7  }
0x11a: {  	s14 =	sand.u32 $0x70, s28;
	s28 =	sand.u32 $0x60, s24;
	s8 =	sadd.s32 s26, s25;
	v15 =	vor.u32 v23, v15;
	v11 =	vadd.f32 v14, v11;
	v8 =	vmul.f32 v6, v8  }
0x11b: {  	s18 =	sand.u32 $0x7E00, s16;
	s10 =	sadd.s32 s28, s8;
	v4 =	vunpack.i.u.bf16.f32 v16;
	v15 =	vor.u32 v24, v15;
	v6 =	vunpack.i.l.bf16.f32 v16  }
0x11c: {  	s5 =	sor.u32 s14, s18;
	[tilespmem:v1+s10+$0x0 ss:$0x1] =	vst.idx.msk $0xffff, v18;
	v18 =	vld [tilespmem:s9+$0x11980];
	v16 =	vand.u32 $0xFFFFF800, v20;
	v21 =	vadd.f32 v11, v8;
	v8 =	vshrl.u32 v22, $0x1  }
0x11d: {  	v24 =	vld [tilespmem:s5+$0x11800];
	v12 =	vand.u32 $0x7F, v22;
	v9 =	vand.u32 $0xFFFFF800, v22;
	v8 =	vand.u32 $0x380, v8  }
0x11e: {  	v10 =	vld.idx.msk [tilespmem:v19+s6+$0x0], $0xffff;
	v17 =	vshll.u32 v22, $0x3;
	v23 =	vshll.u32 v20, $0x3;
	v8 =	vor.u32 v9, v8  }
0x11f: {  	v14 =	vld [tilespmem:s5+$0x11880];
	v22 =	vand.u32 $0x7F, v20;
	v17 =	vand.u32 $0x400, v17;
	v19 =	vor.u32 v12, v8  }
0x120: {  	v11 =	vld [tilespmem:s5+$0x11900];
	v23 =	vand.u32 $0x400, v23;
	v25 =	vor.u32 v22, v8;
	v19 =	vor.u32 v17, v19  }
0x121: {  	v20 =	vshrl.u32 v20, $0x1;
	v9 =	vld.idx.msk [tilespmem:v27+s6+$0x0], $0xffff;
	v12 =	vor.u32 v12, v17;
	v25 =	vor.u32 v23, v25  }
0x122: {  	v26 =	vshrl.u32 v24, $0x1;
	v8 =	vld [tilespmem:s5+$0x11980];
	v17 =	vand.u32 $0x380, v20;
	v20 =	vor.u32 v16, v12  }
0x123: {  	v27 =	vand.u32 $0xFFFFF800, v24;
	s5 =	simm.s32 $0x100;
	v12 =	vld.idx.msk [tilespmem:v15+s6+$0x0], $0xffff;
	v15 =	vor.u32 v17, v20;
	v16 =	vor.u32 v16, v17  }
0x124: {  	s20 =	simm.s32 $0x10;
	s11 =	simm.s32 $0x20;
	s14 =	sand.u32 $0x400, s5;
	v20 =	vand.u32 $0x380, v26;
	v26 =	vand.u32 $0x7F, v24;
	v22 =	vor.u32 v22, v16;
	v16 =	vld [tilespmem:s9+$0x11900]  }
0x125: {  	s23 =	sand.u32 $0x70, s20;
	s11 =	sand.u32 $0x60, s11;
	s14 =	sadd.s32 s14, s25;
	v27 =	vor.u32 v27, v20;
	v23 =	vor.u32 v23, v22;
	v22 =	vand.u32 $0x7F, v14;
	v17 =	vld.idx.msk [tilespmem:v19+s6+$0x0], $0xffff  }
0x126: {  	s18 =	simm.s32 $0x30;
	s10 =	simm.s32 $0x50;
	s11 =	sadd.s32 s11, s14;
	v19 =	vshll.u32 v24, $0x3;
	v20 =	vld.idx.msk [tilespmem:v25+s6+$0x0], $0xffff;
	v25 =	vor.u32 v26, v27;
	v24 =	vshll.u32 v14, $0x3  }
0x127: {  	s18 =	sand.u32 $0x70, s18;
	s8 =	sadd.s32 s23, s8;
	s7 =	sand.u32 $0x70, s10;
	v13 =	vld.idx.msk [tilespmem:v13+s6+$0x0], $0xffff;
	[tilespmem:v1+s11+$0x0 ss:$0x1] =	vst.idx.msk $0xffff, v21;
	v27 =	vor.u32 v22, v27;
	v28 =	vand.u32 $0x400, v19;
	v24 =	vand.u32 $0x400, v24  }
0x128: {  	s9 =	sadd.s32 s18, s14;
	s14 =	simm.s32 $0x70;
	s11 =	simm.s32 $0x4;
	v21 =	vld.idx.msk [tilespmem:v15+s6+$0x0], $0xffff;
	v19 =	vor.u32 v28, v25;
	v15 =	vor.u32 v24, v27;
	v25 =	vor.u32 v26, v28  }
.LBB2_17:
0x129: {  	s19 =	sadd.s32 s14, s13;
	s18 =	sand.u32 $0x70, s14;
	v26 =	vand.u32 $0xFFFFF800, v14;
	v14 =	vshrl.u32 v14, $0x1;
	v27 =	vunpack.i.u.bf16.f32 v11;
	s16 =	sadd.s32 $0x80, s16  }
0x12a: {  	v11 =	vunpack.i.l.bf16.f32 v11;
	s20 =	sadd.s32 $0xFFFFFFF0, s19;
	s23 =	sadd.s32 $0xFFFFFFC0, s16;
	s19 =	sand.u32 $0x70, s19;
	v23 =	vld.idx.msk [tilespmem:v23+s6+$0x0], $0xffff;
	v14 =	vand.u32 $0x380, v14;
	v25 =	vor.u32 v26, v25  }
0x12b: {  	s11 =	sadd.s32 $0x2, s11;
	v28 =	vunpack.i.u.bf16.f32 v16;
	v16 =	vunpack.i.l.bf16.f32 v16;
	s20 =	sand.u32 $0x60, s20;
	s23 =	sand.u32 $0x7E00, s23;
	v25 =	vor.u32 v14, v25  }
0x12c: {  	p0 =	slt.u32 s11, $0xC;
	v16 =	vmul.f32 v16, v17;
	v17 =	vmul.f32 v28, v20;
	v14 =	vor.u32 v26, v14;
	s24 =	sor.u32 s20, s23;
	s20 =	sand.u32 $0x7E00, s16  }
0x12d: {  	v10 =	vmul.f32 v3, v10;
	v3 =	vmovc v11;
	v26 =	vunpack.i.l.bf16.f32 v18;
	v14 =	vor.u32 v22, v14;
	v20 =	vld [tilespmem:s24+$0x11880];
	s19 =	sor.u32 s19, s20  }
0x12e: {  	v11 =	vadd.f32 v16, v17;
	v16 =	vmul.f32 v26, v21;
	v17 =	vor.u32 v24, v14;
	v22 =	vld [tilespmem:s24+$0x11800]  }
0x12f: {  	v9 =	vmul.f32 v2, v9;
	v2 =	vmovc v27;
	v18 =	vunpack.i.u.bf16.f32 v18;
	v24 =	vunpack.i.l.bf16.f32 v8;
	v21 =	vld [tilespmem:s19+$0x11800]  }
0x130: {  	v13 =	vmul.f32 v6, v13;
	s5 =	sadd.s32 $0x100, s5;
	v6 =	vmovc v24;
	v16 =	vadd.f32 v16, v11;
	v18 =	vmul.f32 v18, v23;
	v14 =	vld [tilespmem:s19+$0x11880]  }
0x131: {  	v12 =	vmul.f32 v4, v12;
	v4 =	vunpack.i.u.bf16.f32 v8;
	s23 =	sand.u32 $0x400, s5;
	s20 =	sadd.s32 $0xFFFFFFF0, s10;
	s10 =	smov.u32 s14;
	v23 =	vadd.f32 v10, v9;
	v11 =	vld [tilespmem:s19+$0x11900]  }
0x132: {  	s23 =	sadd.s32 s23, s25;
	s20 =	sand.u32 $0x60, s20;
	v16 =	vadd.f32 v16, v18;
	v18 =	vadd.f32 v7, v5;
	v10 =	vld.idx.msk [tilespmem:v19+s6+$0x0], $0xffff  }
0x133: {  	s20 =	sadd.s32 s20, s23;
	s23 =	sadd.s32 s7, s23;
	s7 =	smov.u32 s18;
	v7 =	vadd.f32 v13, v23;
	v5 =	vmovc v12;
	v19 =	vand.u32 $0xFFFFF800, v20;
	v8 =	vshrl.u32 v22, $0x1;
	v9 =	vld.idx.msk [tilespmem:v15+s6+$0x0], $0xffff  }
0x134: {  	v15 =	vand.u32 $0x7F, v22;
	v12 =	vand.u32 $0xFFFFF800, v22;
	v13 =	vand.u32 $0x380, v8;
	v8 =	vld [tilespmem:s19+$0x11980];
	[tilespmem:v1+s20+$0x0 ss:$0x1] =	vst.idx.msk $0xffff, v16  }
0x135: {  	v23 =	vand.u32 $0x7F, v20;
	v16 =	vshll.u32 v22, $0x3;
	v22 =	vor.u32 v12, v13;
	v13 =	vld.idx.msk [tilespmem:v25+s6+$0x0], $0xffff;
	[tilespmem:v1+s8+$0x0 ss:$0x1] =	vst.idx.msk $0xffff, v18;
	s8 =	smov.u32 s9;
	s9 =	smov.u32 s23  }
0x136: {  	v24 =	vshll.u32 v20, $0x3;
	v16 =	vand.u32 $0x400, v16;
	v18 =	vor.u32 v15, v22;
	v12 =	vld.idx.msk [tilespmem:v17+s6+$0x0], $0xffff  }
0x137: {  	v22 =	vor.u32 v23, v22;
	v17 =	vor.u32 v16, v18;
	v18 =	vand.u32 $0x400, v24  }
0x138: {  	v20 =	vshrl.u32 v20, $0x1;
	v15 =	vor.u32 v15, v16;
	v22 =	vor.u32 v18, v22  }
0x139: {  	v16 =	vand.u32 $0x380, v20;
	v15 =	vor.u32 v19, v15;
	v20 =	vshrl.u32 v21, $0x1  }
0x13a: {  	v15 =	vor.u32 v16, v15;
	v16 =	vor.u32 v19, v16;
	v19 =	vand.u32 $0x380, v20  }
.Ltmp7:
0x13b: {  	v25 =	vand.u32 $0x7F, v21;
	v24 =	vand.u32 $0xFFFFF800, v21;
	v20 =	vor.u32 v23, v16;
	v16 =	vld [tilespmem:s24+$0x11900];
	(pc) =	sbr.rel @p0 .LBB2_17-.Ltmp7, $4  }
0x13c: {  	v21 =	vshll.u32 v21, $0x3;
	v19 =	vor.u32 v24, v19;
	v23 =	vor.u32 v18, v20;
	v17 =	vld.idx.msk [tilespmem:v17+s6+$0x0], $0xffff  }
0x13d: {  	v24 =	vshll.u32 v14, $0x3;
	v26 =	vor.u32 v25, v19;
	v20 =	vld.idx.msk [tilespmem:v22+s6+$0x0], $0xffff;
	v22 =	vand.u32 $0x7F, v14  }
0x13e: {  	v27 =	vand.u32 $0x400, v21;
	v24 =	vand.u32 $0x400, v24;
	v18 =	vld [tilespmem:s24+$0x11980];
	v28 =	vor.u32 v22, v19  }
0x13f: {  	s14 =	sadd.s32 $0x20, s14;
	v25 =	vor.u32 v25, v27;
	v19 =	vor.u32 v27, v26;
	v21 =	vld.idx.msk [tilespmem:v15+s6+$0x0], $0xffff;
	v15 =	vor.u32 v24, v28  }
0x140: {  	v26 =	vand.u32 $0xFFFFF800, v14;
	v47 =	vshrl.u32 v14, $0x1  }
0x141: {  	v14 =	vand.u32 $0x380, v47;
	v25 =	vor.u32 v26, v25  }
0x142: {  	v25 =	vor.u32 v14, v25;
	v14 =	vor.u32 v26, v14  }
0x143: {  	v14 =	vor.u32 v22, v14  }
0x144: {  	v19 =	vld.idx.msk [tilespmem:v19+s6+$0x0], $0xffff;
	v14 =	vor.u32 v24, v14  }
0x145: {  	v48 =	vunpack.i.u.bf16.f32 v16;
	v15 =	vld.idx.msk [tilespmem:v15+s6+$0x0], $0xffff  }
0x146: {  	v49 =	vunpack.i.l.bf16.f32 v16;
	v51 =	vunpack.i.u.bf16.f32 v11;
	v52 =	vunpack.i.l.bf16.f32 v11  }
0x147: {  	v3 =	vmul.f32 v3, v10;
	v58 =	vunpack.i.l.bf16.f32 v8;
	v2 =	vmul.f32 v2, v9;
	v54 =	vld.idx.msk [tilespmem:v25+s6+$0x0], $0xffff  }
0x148: {  	v23 =	vld.idx.msk [tilespmem:v23+s6+$0x0], $0xffff;
	v6 =	vmul.f32 v6, v13;
	v4 =	vmul.f32 v4, v12;
	v5 =	vadd.f32 v7, v5  }
0x149: {  	v16 =	vmul.f32 v49, v17;
	v50 =	vmul.f32 v48, v20;
	v2 =	vadd.f32 v3, v2;
	v59 =	vld.idx.msk [tilespmem:v14+s6+$0x0], $0xffff  }
0x14a: {  	v53 =	vunpack.i.l.bf16.f32 v18;
	v11 =	vmul.f32 v52, v19;
	v60 =	vmul.f32 v51, v15  }
0x14b: {  	v57 =	vunpack.i.u.bf16.f32 v18;
	v55 =	vadd.f32 v16, v50;
	v56 =	vmul.f32 v53, v21  }
0x14c: {  	s15 =	sadd.s32 $0x1, s15;
	v2 =	vadd.f32 v6, v2;
	v11 =	vadd.f32 v11, v60;
	v62 =	vmul.f32 v58, v54  }
0x14d: {  	s5 =	sadd.s32 $0x100, s5;
	p0 =	sne.s32 s15, $0x10;
	v3 =	vunpack.i.u.bf16.f32 v8;
	v61 =	vmul.f32 v57, v23;
	v10 =	vadd.f32 v56, v55  }
.Ltmp8:
0x14e: {  	s10 =	sadd.s32 $0xFFFFFFF0, s10;
	s5 =	sand.u32 $0x400, s5;
	v2 =	vadd.f32 v2, v4;
	v3 =	vmul.f32 v3, v59;
	v63 =	vadd.f32 v62, v11;
	(pc) =	sbr.rel @p0 .LBB2_16-.Ltmp8, $4  }
0x14f: {  	s10 =	sand.u32 $0x60, s10;
	s5 =	sadd.s32 s5, s25;
	[tilespmem:v1+s8+$0x0 ss:$0x1] =	vst.idx.msk $0xffff, v5;
	v10 =	vadd.f32 v10, v61  }
0x150: {  	s10 =	sadd.s32 s10, s5;
	[tilespmem:v1+s9+$0x0 ss:$0x1] =	vst.idx.msk $0xffff, v2;
	v3 =	vadd.f32 v63, v3  }
0x151: {  	s5 =	sadd.s32 s7, s5;
	[tilespmem:v1+s10+$0x0 ss:$0x1] =	vst.idx.msk $0xffff, v10  }
0x152: {  	s1 =	sadd.s32 $0x380, s1;
	s13 =	sadd.s32 $0xE0, s13;
	[tilespmem:v1+s5+$0x0 ss:$0x1] =	vst.idx.msk $0xffff, v3  }
0x153: {  	s2 =	sadd.s32 $0x1, s2  }
0x154: {  	p0 =	sne.s32 s2, $0x7  }
.Ltmp9:
0x155: {  	s0 =	sshll.u32 s0, $0xC;
	(pc) =	sbr.rel @p0 .LBB2_7-.Ltmp9, $4  }
0x156: {  	s0 =	sadd.s32 s30, s0  }
0x157: {  	s0 =	sshrl.u32 s0, $0x3  }
0x158: {  	s1 =	simm.s32 $0x16000;
	s0 =	sadd.s32 s3, s0  }
0x159: {  	[hbm4b:s0+s6] =	stream.linear.scatter [tilespmem:s1], [sflag:$0x4], $0x1000, $0x38;
	[tilespmem:$0x1E700] =	vst v63  }
0x15a: {  	s0 =	simm.s32 $0x3  }
0x15b: {  	_ =	swait.ge [sflag:s0], $0x1000  }
0x15c: {  	[sflag:s0] =	ssyncset.done $0x0  }
0x15d: {  	[sflag:s0] =	ssyncadd.s32 $0xFFFFF000  }
0x15e: {  	_ =	swait.ge [sflag:s22], $0x1000  }
0x15f: {  	s5 =	rddreg [dreg:$0xd]  }
0x160: {  	s5 =	sadd.s32 $0x1, s5  }
0x161: {  	p0 =	sne.s32 s5, $0xC  }
.Ltmp10:
0x162: {  	_ = 	snop;
	(pc) =	sbr.rel @p0 .LBB2_6-.Ltmp10, $3  }
0x163: {  	_ =	sdelay $0x1  }
0x164: {  	[sflag:s22] =	ssyncset.done $0x0  }
0x165: {  	s16 =	simm.s32 $0x5;
	[sflag:s22] =	ssyncadd.s32 $0xFFFFF000  }
0x166: {  	s1 =	rddreg [dreg:$0xc]  }
0x167: {  	s0 =	rddreg [dreg:$0xb];
	s1 =	sadd.s32 $0x1, s1  }
0x168: {  	p0 =	sne.s32 s1, s0  }
.Ltmp11:
0x169: {  	s11 =	rddreg [dreg:$0x6];
	(pc) =	sbr.rel @p0 .LBB2_1-.Ltmp11, $4  }
0x16a: {  	s12 =	rddreg [dreg:$0x7]  }
0x16b: {  	s13 =	rddreg [dreg:$0x8]  }
0x16c: {  	s14 =	rddreg [dreg:$0x9]  }
0x16d: {  	s15 =	simm.s32 $0x17000;
	s18 =	simm.s32 $0x17380;
	s19 =	simm.s32 $0x17700  }
0x16e: {  	_ =	sfence.sel $0x180000  }
0x16f: {  	[bflag:$0x0] =	sbarrier.arrive $0xFFFF  }
0x170: {  	_ =	strace $0x90000047  }
0x171: {  	s0 =	stileid.u32;
	[bflag:$0x2] =	sbarrier.arrive $0xFFFF  }
0x172: {  	p0 =	sne.s32 s0, $0x0;
	s0 =	rddreg [dreg:$0x4]  }
0x173: {  	s0 =	sadd.s32 @!p0 $0x100000, s0  }
0x174: {  	[sflag:s0] =	ssyncadd.tile.s32 @!p0 $0x1;
	_ =	shalt  }
.Lfunc_end2:
_tile_overlayer_lowered:
.L_overlay_start_2:
0x175: {  	(tag) =	ssettag $0x2  }
0x176: {  	s0 =	rddreg [dreg:$0x0];
	s2 =	stileid.u32  }
0x177: {  	s1 =	rddreg [dreg:$0x1];
	p0 =	sne.s32 s2, $0x0  }
0x178: {  	s3 =	rddreg [dreg:$0x2];
	[bflag:$0x3] =	sbarrier.arrive $0xFFFF;
	s2 =	simm.s32 @!p0 $0x1C05  }
0x179: {  	[timem:s3], [sflag:s2] =	dma.local @!p0 [hbm:s0], s1  }
0x17a: {  	s0 =	simm.s32 @!p0 $0x5  }
0x17b: {  	_ =	swait.ge @!p0 [sflag:s0], s1  }
0x17c: {  	s1 =	ssub.s32 @!p0 $0x0, s1;
	[sflag:s0] =	ssyncset.done @!p0 $0x0  }
0x17d: {  	[sflag:s0] =	ssyncadd.s32 @!p0 s1  }
0x17e: {  	[bflag:$0x3] =	sbarrier.arrive $0xFFFF  }
0x17f: {  	_ =	shalt  }

</sc_bundles>
